<compile_context>
chip_gen: v7x
topology: tpu7x:2x2x1
jax: 0.10.2.dev20260603
libtpu: 0.0.44.dev20260713+nightly
codegen_flags: <defaults>
</compile_context>

<pallas_src>
import jax
import jax.numpy as jnp
from jax import lax
from jax.experimental import pallas as pl
from jax.experimental.pallas import tpu as pltpu
from jax.experimental.pallas import tpu_sc as plsc

N = 10000
E = 320000
D = 128
DH = D // 2
G = 16
GDIN = 64
N_PAD = 10240
DUMMY = 10000
NC = 2
NS = 16
C = 256
RING = 4
LOOKAHEAD = 2
CHUNKS = RING * (-(-E // (NS * C * RING)))
ROUNDS = CHUNKS // RING
E_PAD = NS * CHUNKS * C
RPT = N_PAD // NS
RB = 5120
GRID = N_PAD // RB
_F32 = jnp.float32
_BF16 = jnp.bfloat16


def _dot(a, b):
    return jnp.dot(a, b, preferred_element_type=_F32)



_SC_MESH = plsc.VectorSubcoreMesh(
    core_axis_name="c", subcore_axis_name="s", num_cores=NC, num_subcores=NS)
_SC_PARAMS = pltpu.CompilerParams(use_tc_tiling_on_sc=False)


def _make_sc_body(with_deg):

    def body(*refs):
        if with_deg:
            (hl, srcr, dstr, zrow, zdeg, onesc, agg_out, deg_out,
             src_v, dst_v, rows_v, ones_v, acc_sh, deg_sh) = refs[:14]
            gsems = refs[14:14 + RING]
            ssems = refs[14 + RING:14 + 2 * RING]
            dsem = refs[14 + 2 * RING]
        else:
            (hl, srcr, dstr, zrow, agg_out,
             src_v, dst_v, rows_v, acc_sh) = refs[:9]
            gsems = refs[9:9 + RING]
            ssems = refs[9 + RING:9 + 2 * RING]
        c = lax.axis_index("c")
        s = lax.axis_index("s")
        pltpu.sync_copy(srcr.at[c, s], src_v)
        pltpu.sync_copy(dstr.at[s], dst_v)
        for b in range(LOOKAHEAD):
            pltpu.async_copy(hl.at[src_v.at[b]], rows_v.at[b], gsems[b])
        if with_deg:
            pltpu.sync_copy(onesc, ones_v)
            pltpu.sync_copy(zdeg.at[pl.ds(s * RPT, RPT)],
                            deg_sh.at[pl.ds(s * RPT, RPT)])
        pltpu.sync_copy(zrow.at[pl.ds(s * RPT, RPT)],
                        acc_sh.at[pl.ds(s * RPT, RPT)])
        plsc.subcore_barrier()

        def round_body(r, carry):
            j0 = r * RING
            for b in range(RING):
                j = j0 + b
                pltpu.make_async_copy(
                    hl.at[src_v.at[j]], rows_v.at[b], gsems[b]).wait()
                pltpu.async_copy(
                    rows_v.at[b], acc_sh.at[dst_v.at[j]], ssems[b], add=True)
                if with_deg:
                    p = b % 2

                    @pl.when(c == p)
                    def _deg(j=j):
                        @pl.when(j >= p + 2)
                        def _wait_prev():
                            pltpu.make_async_copy(
                                ones_v, deg_sh.at[dst_v.at[j]], dsem).wait()

                        pltpu.async_copy(
                            ones_v, deg_sh.at[dst_v.at[j]], dsem, add=True)

                b4 = (b + LOOKAHEAD) % RING

                @pl.when(j + LOOKAHEAD < CHUNKS)
                def _prefetch(j=j, b4=b4):
                    @pl.when(j >= LOOKAHEAD)
                    def _wait_scatter():
                        pltpu.make_async_copy(
                            rows_v.at[b4], acc_sh.at[dst_v.at[j]],
                            ssems[b4]).wait()

                    pltpu.async_copy(hl.at[src_v.at[j + LOOKAHEAD]],
                                     rows_v.at[b4], gsems[b4])

            return carry

        lax.fori_loop(0, ROUNDS, round_body, 0)
        for b in range(RING):
            pltpu.make_async_copy(
                rows_v.at[b], acc_sh.at[dst_v.at[0]], ssems[b]).wait()
        if with_deg:
            pltpu.make_async_copy(ones_v, deg_sh.at[dst_v.at[0]], dsem).wait()
        plsc.subcore_barrier()
        pltpu.sync_copy(acc_sh.at[pl.ds(s * RPT, RPT)],
                        agg_out.at[c, pl.ds(s * RPT, RPT)])
        if with_deg:
            pltpu.sync_copy(deg_sh.at[pl.ds(s * RPT, RPT)],
                            deg_out.at[c, pl.ds(s * RPT, RPT)])

    return body


_sc_agg_deg = pl.kernel(
    _make_sc_body(True),
    out_type=[jax.ShapeDtypeStruct((NC, N_PAD, DH), _BF16),
              jax.ShapeDtypeStruct((NC, N_PAD, 16), _F32)],
    mesh=_SC_MESH,
    scratch_types=[
        pltpu.VMEM((CHUNKS, C), jnp.int32),
        pltpu.VMEM((CHUNKS, C), jnp.int32),
        pltpu.VMEM((RING, C, DH), _BF16),
        pltpu.VMEM((C, 16), _F32),
        pltpu.VMEM_SHARED((N_PAD, DH), _BF16),
        pltpu.VMEM_SHARED((N_PAD, 16), _F32),
    ] + [pltpu.SemaphoreType.DMA] * (2 * RING + 1),
    compiler_params=_SC_PARAMS,
)

_sc_agg = pl.kernel(
    _make_sc_body(False),
    out_type=[jax.ShapeDtypeStruct((NC, N_PAD, DH), _BF16)],
    mesh=_SC_MESH,
    scratch_types=[
        pltpu.VMEM((CHUNKS, C), jnp.int32),
        pltpu.VMEM((CHUNKS, C), jnp.int32),
        pltpu.VMEM((RING, C, DH), _BF16),
        pltpu.VMEM_SHARED((N_PAD, DH), _BF16),
    ] + [pltpu.SemaphoreType.DMA] * (2 * RING),
    compiler_params=_SC_PARAMS,
)



def _tc_pre_body(x_ref, wl_ref, wr_ref, b_ref, hl_ref, pre_ref):
    xv = x_ref[...]
    t = _dot(xv, wl_ref[...]).astype(_BF16)
    hl_ref[0] = t[:, :DH]
    hl_ref[1] = t[:, DH:]
    pre_ref[...] = _dot(xv, wr_ref[...]) + b_ref[...]


def _tc_mid_body(aggp_ref, degp_ref, pre0_ref, wl1_ref, wr1_ref, b1_ref,
                 hl1_ref, pre1_ref, deg_ref):
    agg = jnp.concatenate([aggp_ref[0], aggp_ref[1]], axis=1).astype(_F32)
    deg = jnp.maximum(degp_ref[0] + degp_ref[1], 1.0)
    t = agg / deg[:, 0:1] + pre0_ref[...]
    t = jnp.maximum(t, 0.0)
    ss = jnp.sum(t * t, axis=1, keepdims=True)
    h1 = t / jnp.maximum(jnp.sqrt(ss), 1e-12)
    t1 = _dot(h1, wl1_ref[...]).astype(_BF16)
    hl1_ref[0] = t1[:, :DH]
    hl1_ref[1] = t1[:, DH:]
    pre1_ref[...] = _dot(h1, wr1_ref[...]) + b1_ref[...]
    deg_ref[...] = deg


def _tc_fin_body(aggp_ref, deg_ref, pre1_ref, batch_ref, u_ref, wg_ref,
                 bg_ref, wh_ref, bh_ref, out_ref, gsum_acc, gcnt_acc):
    i = pl.program_id(0)
    agg = jnp.concatenate([aggp_ref[0], aggp_ref[1]], axis=1).astype(_F32)
    t = agg / deg_ref[:, 0:1] + pre1_ref[...]
    ss = jnp.sum(t * t, axis=1, keepdims=True)
    h2 = t / jnp.maximum(jnp.sqrt(ss), 1e-12)
    giota = lax.broadcasted_iota(jnp.int32, (RB, G), 1)
    mask = (batch_ref[...] == giota).astype(_F32)
    part = lax.dot_general(mask, h2, (((0,), (0,)), ((), ())),
                           preferred_element_type=_F32)
    cnt = lax.dot_general(mask, jnp.ones((RB, 1), _F32),
                          (((0,), (0,)), ((), ())),
                          preferred_element_type=_F32)

    @pl.when(i == 0)
    def _init():
        gsum_acc[...] = jnp.zeros_like(gsum_acc)
        gcnt_acc[...] = jnp.zeros_like(gcnt_acc)

    gsum_acc[...] += part
    gcnt_acc[...] += cnt

    @pl.when(i == GRID - 1)
    def _final():
        graph_emb = gsum_acc[...] / jnp.maximum(gcnt_acc[...], 1.0)
        ge = jnp.maximum(_dot(u_ref[...], wg_ref[...]) + bg_ref[...], 0.0)
        fused = jnp.concatenate([graph_emb, ge], axis=1)
        out_ref[...] = _dot(fused, wh_ref[...]) + bh_ref[...]


_row_spec = pl.BlockSpec((RB, D), lambda i: (i, 0))
_half_spec = pl.BlockSpec((NC, RB, DH), lambda i: (0, i, 0))
_deg_spec = pl.BlockSpec((RB, 16), lambda i: (i, 0))
_degp_spec = pl.BlockSpec((NC, RB, 16), lambda i: (0, i, 0))
_w_spec = pl.BlockSpec((D, D), lambda i: (0, 0))
_b_spec = pl.BlockSpec((1, D), lambda i: (0, 0))

_tc_pre = pl.pallas_call(
    _tc_pre_body,
    grid=(GRID,),
    in_specs=[_row_spec, _w_spec, _w_spec, _b_spec],
    out_specs=[_half_spec, _row_spec],
    out_shape=[jax.ShapeDtypeStruct((NC, N_PAD, DH), _BF16),
               jax.ShapeDtypeStruct((N_PAD, D), _F32)],
)

_tc_mid = pl.pallas_call(
    _tc_mid_body,
    grid=(GRID,),
    in_specs=[_half_spec, _degp_spec, _row_spec, _w_spec, _w_spec, _b_spec],
    out_specs=[_half_spec, _row_spec, _deg_spec],
    out_shape=[jax.ShapeDtypeStruct((NC, N_PAD, DH), _BF16),
               jax.ShapeDtypeStruct((N_PAD, D), _F32),
               jax.ShapeDtypeStruct((N_PAD, 16), _F32)],
)

_tc_fin = pl.pallas_call(
    _tc_fin_body,
    grid=(GRID,),
    in_specs=[_half_spec,
              _deg_spec,
              _row_spec,
              pl.BlockSpec((RB, 1), lambda i: (i, 0)),
              pl.BlockSpec((G, GDIN), lambda i: (0, 0)),
              pl.BlockSpec((GDIN, D), lambda i: (0, 0)),
              _b_spec,
              pl.BlockSpec((2 * D, 1), lambda i: (0, 0)),
              pl.BlockSpec((1, 1), lambda i: (0, 0))],
    out_specs=pl.BlockSpec((G, 1), lambda i: (0, 0)),
    out_shape=jax.ShapeDtypeStruct((G, 1), _F32),
    scratch_shapes=[pltpu.VMEM((G, D), _F32), pltpu.VMEM((G, 1), _F32)],
)



def kernel(x, edge_index, u, batch, Wl0, Wr0, b0, Wl1, Wr1, b1, Wg, bg, Wh, bh):
    src = edge_index[0].astype(jnp.int32)
    dst = edge_index[1].astype(jnp.int32)
    pad_e = E_PAD - E
    srcp = jnp.concatenate([src, jnp.zeros((pad_e,), jnp.int32)]).reshape(
        NS, CHUNKS, C)
    srcr = jnp.stack([srcp, srcp + N_PAD])
    dstr = jnp.concatenate([dst, jnp.full((pad_e,), DUMMY, jnp.int32)]).reshape(
        NS, CHUNKS, C)
    xpad = jnp.zeros((N_PAD, D), _F32).at[:N].set(x)
    batch_p = jnp.full((N_PAD, 1), G, jnp.int32).at[:N, 0].set(
        batch.astype(jnp.int32))
    zrow = jnp.zeros((N_PAD, DH), _BF16)
    zdeg = jnp.zeros((N_PAD, 16), _F32)
    onesc = jnp.ones((C, 16), _F32)

    hl0, pre0 = _tc_pre(xpad, Wl0, Wr0, b0.reshape(1, D))
    agg0, deg0 = _sc_agg_deg(hl0.reshape(NC * N_PAD, DH), srcr, dstr,
                             zrow, zdeg, onesc)
    hl1, pre1, deg = _tc_mid(agg0, deg0, pre0, Wl1, Wr1, b1.reshape(1, D))
    (agg1,) = _sc_agg(hl1.reshape(NC * N_PAD, DH), srcr, dstr, zrow)
    out = _tc_fin(agg1, deg, pre1, batch_p, u, Wg, bg.reshape(1, D),
                  Wh, bh.reshape(1, 1))
    return out

# --- scband reference (transcript-rebuilt; emitter-appended) ---
"""Pipeline reference for scband-graph-sage-16982300688532 (READ-ONLY COPY).

The authoritative reference and input builder live on the scoring server;
editing this copy changes nothing except your own understanding.
"""

import jax, jax.numpy as jnp
import numpy as np

N_NODES = 10000
N_EDGES = 320000
D_FEAT = 128
DMID = 128
GLOB_DIN = 64
N_GRAPHS = 16
DOUT = 1


def setup_inputs(seed: int = 0) -> dict:
    key = jax.random.key(seed)
    ks = jax.random.split(key, 16)
    x = jax.random.normal(ks[0], (N_NODES, D_FEAT), dtype=jnp.float32)
    edge_index = jax.random.randint(ks[1], (2, N_EDGES), 0, N_NODES, dtype=jnp.int64)
    u = jax.random.normal(ks[2], (N_GRAPHS, GLOB_DIN), dtype=jnp.float32)
    batch = jnp.sort(jax.random.randint(ks[3], (N_NODES,), 0, N_GRAPHS, dtype=jnp.int64))
    s_in = 1.0 / np.sqrt(D_FEAT)
    s_mid = 1.0 / np.sqrt(DMID)
    s_g = 1.0 / np.sqrt(GLOB_DIN)
    s_h = 1.0 / np.sqrt(2 * DMID)
    Wl0 = jax.random.normal(ks[4], (D_FEAT, DMID), dtype=jnp.float32) * s_in
    Wr0 = jax.random.normal(ks[5], (D_FEAT, DMID), dtype=jnp.float32) * s_in
    b0 = jnp.zeros((DMID,), dtype=jnp.float32)
    Wl1 = jax.random.normal(ks[6], (DMID, DMID), dtype=jnp.float32) * s_mid
    Wr1 = jax.random.normal(ks[7], (DMID, DMID), dtype=jnp.float32) * s_mid
    b1 = jnp.zeros((DMID,), dtype=jnp.float32)
    Wg = jax.random.normal(ks[8], (GLOB_DIN, DMID), dtype=jnp.float32) * s_g
    bg = jnp.zeros((DMID,), dtype=jnp.float32)
    Wh = jax.random.normal(ks[9], (2 * DMID, DOUT), dtype=jnp.float32) * s_h
    bh = jnp.zeros((DOUT,), dtype=jnp.float32)
    return {"x": x, "edge_index": edge_index, "u": u, "batch": batch,
            "Wl0": Wl0, "Wr0": Wr0, "b0": b0,
            "Wl1": Wl1, "Wr1": Wr1, "b1": b1,
            "Wg": Wg, "bg": bg, "Wh": Wh, "bh": bh}


def _sage_conv(h, src, dst, Wl, Wr, b, n_nodes):
    # SAGEConv with mean aggregation: out = mean_{j in N(i)} h_j @ Wl + h_i @ Wr + b
    msg = jnp.take(h, src, axis=0)
    agg = jax.ops.segment_sum(msg, dst, num_segments=n_nodes)
    deg = jax.ops.segment_sum(jnp.ones((src.shape[0],), dtype=h.dtype), dst, num_segments=n_nodes)
    agg = agg / jnp.clip(deg, 1.0)[:, None]
    return agg @ Wl + h @ Wr + b


def _l2norm(h, eps=1e-12):
    return h / jnp.clip(jnp.linalg.norm(h, axis=-1, keepdims=True), eps)


def reference(x, edge_index, u, batch, Wl0, Wr0, b0, Wl1, Wr1, b1, Wg, bg, Wh, bh):
    src = edge_index[0]
    dst = edge_index[1]
    n_nodes = x.shape[0]
    # backbone: 2 SAGEConv layers (mean aggr), ReLU between, L2-normalize after each layer
    h = _sage_conv(x, src, dst, Wl0, Wr0, b0, n_nodes)
    h = jax.nn.relu(h)
    h = _l2norm(h)
    h = _sage_conv(h, src, dst, Wl1, Wr1, b1, n_nodes)
    h = _l2norm(h)
    # per-graph mean pooling over node embeddings
    gsum = jax.ops.segment_sum(h, batch, num_segments=N_GRAPHS)
    gcnt = jax.ops.segment_sum(jnp.ones((n_nodes,), dtype=h.dtype), batch, num_segments=N_GRAPHS)
    graph_emb = gsum / jnp.clip(gcnt, 1.0)[:, None]
    # global feature projection
    global_emb = jax.nn.relu(u @ Wg + bg)
    fused = jnp.concatenate([graph_emb, global_emb], axis=-1)
    # classification head (dropout p=0 -> identity) + linear
    out = fused @ Wh + bh
    return out

if __name__ == "__main__":
    import jax
    _d = setup_inputs()
    print(jax.jit(kernel)(*tuple(_d.values())))

</pallas_src>

<mosaic_0001>
#map = affine_map<(d0, d1) -> (0, 0)>
#map1 = affine_map<(d0, d1) -> (0, 0, 0, 0)>
#map2 = affine_map<(d0, d1) -> (0, 0, 0)>
module attributes {stable_mosaic.version = 14 : i64} {
  func.func @body(%arg0: i32, %arg1: i32, %arg2: memref<20480x64xbf16, #tpu.memory_space<hbm>>, %arg3: memref<2x16x80x256xi32, #tpu.memory_space<hbm>>, %arg4: memref<16x80x256xi32, #tpu.memory_space<hbm>>, %arg5: memref<10240x64xbf16, #tpu.memory_space<hbm>>, %arg6: memref<2x10240x64xbf16, #tpu.memory_space<hbm>>, %arg7: memref<80x256xi32, #tpu.memory_space<vmem>>, %arg8: memref<80x256xi32, #tpu.memory_space<vmem>>, %arg9: memref<4x256x64xbf16, #tpu.memory_space<vmem>>, %arg10: memref<10240x64xbf16, #tpu.memory_space<vmem_shared>>, %arg11: memref<!tpu.dma_semaphore, #tpu.memory_space<semaphore_mem>>, %arg12: memref<!tpu.dma_semaphore, #tpu.memory_space<semaphore_mem>>, %arg13: memref<!tpu.dma_semaphore, #tpu.memory_space<semaphore_mem>>, %arg14: memref<!tpu.dma_semaphore, #tpu.memory_space<semaphore_mem>>, %arg15: memref<!tpu.dma_semaphore, #tpu.memory_space<semaphore_mem>>, %arg16: memref<!tpu.dma_semaphore, #tpu.memory_space<semaphore_mem>>, %arg17: memref<!tpu.dma_semaphore, #tpu.memory_space<semaphore_mem>>, %arg18: memref<!tpu.dma_semaphore, #tpu.memory_space<semaphore_mem>>) attributes {dimension_semantics = [#tpu.dimension_semantics<core_parallel>, #tpu.dimension_semantics<subcore_parallel>], iteration_bounds = array<i64: 2, 16>, scalar_prefetch = 0 : i64, scratch_operands = 12 : i64, tpu.core_type = #tpu.core_type<sc_vector_subcore>, window_params = [{transform_indices = #map}, {transform_indices = #map1}, {transform_indices = #map2}, {transform_indices = #map}, {transform_indices = #map2}]} {
    "tpu.region"() ({
      %run_scoped3A = tpu.sem_alloc : memref<!tpu.dma_semaphore, #tpu.memory_space<semaphore_mem>>
      %dma_start3A_83 = arith.constant 0 : i32
      %dma_start3A_84 = arith.constant 0 : i32
      %dma_start3A_85 = tpu.memref_slice %arg3[%arg0, %arg1, %dma_start3A_83, %dma_start3A_84] : memref<2x16x80x256xi32, #tpu.memory_space<hbm>> -> memref<1x1x80x256xi32, #tpu.memory_space<hbm>>
      %dma_start3A_86 = tpu.memref_squeeze %dma_start3A_85 : memref<1x1x80x256xi32, #tpu.memory_space<hbm>> -> memref<80x256xi32, #tpu.memory_space<hbm>>
      %dma_start3A_87 = arith.constant 0 : i32
      %dma_start3A_88 = arith.constant 0 : i32
      %dma_start3A_89 = tpu.memref_slice %arg3[%arg0, %arg1, %dma_start3A_87, %dma_start3A_88] : memref<2x16x80x256xi32, #tpu.memory_space<hbm>> -> memref<1x1x80x256xi32, #tpu.memory_space<hbm>>
      %dma_start3A_90 = tpu.memref_squeeze %dma_start3A_89 : memref<1x1x80x256xi32, #tpu.memory_space<hbm>> -> memref<80x256xi32, #tpu.memory_space<hbm>>
      tpu.enqueue_dma source(%dma_start3A_90 : memref<80x256xi32, #tpu.memory_space<hbm>>) target(%arg7 : memref<80x256xi32, #tpu.memory_space<vmem>>) target_semaphore(%run_scoped3A : memref<!tpu.dma_semaphore, #tpu.memory_space<semaphore_mem>>)
      %dma_wait3A_91 = arith.constant 0 : i32
      %dma_wait3A_92 = arith.constant 0 : i32
      %dma_wait3A_93 = tpu.memref_slice %arg3[%arg0, %arg1, %dma_wait3A_91, %dma_wait3A_92] : memref<2x16x80x256xi32, #tpu.memory_space<hbm>> -> memref<1x1x80x256xi32, #tpu.memory_space<hbm>>
      %dma_wait3A_94 = tpu.memref_squeeze %dma_wait3A_93 : memref<1x1x80x256xi32, #tpu.memory_space<hbm>> -> memref<80x256xi32, #tpu.memory_space<hbm>>
      %dma_wait3A_95 = arith.constant 0 : i32
      %dma_wait3A_96 = arith.constant 0 : i32
      %dma_wait3A_97 = tpu.memref_slice %arg3[%arg0, %arg1, %dma_wait3A_95, %dma_wait3A_96] : memref<2x16x80x256xi32, #tpu.memory_space<hbm>> -> memref<1x1x80x256xi32, #tpu.memory_space<hbm>>
      %dma_wait3A_98 = tpu.memref_squeeze %dma_wait3A_97 : memref<1x1x80x256xi32, #tpu.memory_space<hbm>> -> memref<80x256xi32, #tpu.memory_space<hbm>>
      tpu.wait_dma2 semaphore(%run_scoped3A : memref<!tpu.dma_semaphore, #tpu.memory_space<semaphore_mem>>) src(%dma_wait3A_98 : memref<80x256xi32, #tpu.memory_space<hbm>>) dst(%arg7 : memref<80x256xi32, #tpu.memory_space<vmem>>)
      tpu.yield
    }) : () -> ()
    "tpu.region"() ({
      %run_scoped3A = tpu.sem_alloc : memref<!tpu.dma_semaphore, #tpu.memory_space<semaphore_mem>>
      %dma_start3A_83 = arith.constant 0 : i32
      %dma_start3A_84 = arith.constant 0 : i32
      %dma_start3A_85 = tpu.memref_slice %arg4[%arg1, %dma_start3A_83, %dma_start3A_84] : memref<16x80x256xi32, #tpu.memory_space<hbm>> -> memref<1x80x256xi32, #tpu.memory_space<hbm>>
      %dma_start3A_86 = tpu.memref_squeeze %dma_start3A_85 : memref<1x80x256xi32, #tpu.memory_space<hbm>> -> memref<80x256xi32, #tpu.memory_space<hbm>>
      %dma_start3A_87 = arith.constant 0 : i32
      %dma_start3A_88 = arith.constant 0 : i32
      %dma_start3A_89 = tpu.memref_slice %arg4[%arg1, %dma_start3A_87, %dma_start3A_88] : memref<16x80x256xi32, #tpu.memory_space<hbm>> -> memref<1x80x256xi32, #tpu.memory_space<hbm>>
      %dma_start3A_90 = tpu.memref_squeeze %dma_start3A_89 : memref<1x80x256xi32, #tpu.memory_space<hbm>> -> memref<80x256xi32, #tpu.memory_space<hbm>>
      tpu.enqueue_dma source(%dma_start3A_90 : memref<80x256xi32, #tpu.memory_space<hbm>>) target(%arg8 : memref<80x256xi32, #tpu.memory_space<vmem>>) target_semaphore(%run_scoped3A : memref<!tpu.dma_semaphore, #tpu.memory_space<semaphore_mem>>)
      %dma_wait3A_91 = arith.constant 0 : i32
      %dma_wait3A_92 = arith.constant 0 : i32
      %dma_wait3A_93 = tpu.memref_slice %arg4[%arg1, %dma_wait3A_91, %dma_wait3A_92] : memref<16x80x256xi32, #tpu.memory_space<hbm>> -> memref<1x80x256xi32, #tpu.memory_space<hbm>>
      %dma_wait3A_94 = tpu.memref_squeeze %dma_wait3A_93 : memref<1x80x256xi32, #tpu.memory_space<hbm>> -> memref<80x256xi32, #tpu.memory_space<hbm>>
      %dma_wait3A_95 = arith.constant 0 : i32
      %dma_wait3A_96 = arith.constant 0 : i32
      %dma_wait3A_97 = tpu.memref_slice %arg4[%arg1, %dma_wait3A_95, %dma_wait3A_96] : memref<16x80x256xi32, #tpu.memory_space<hbm>> -> memref<1x80x256xi32, #tpu.memory_space<hbm>>
      %dma_wait3A_98 = tpu.memref_squeeze %dma_wait3A_97 : memref<1x80x256xi32, #tpu.memory_space<hbm>> -> memref<80x256xi32, #tpu.memory_space<hbm>>
      tpu.wait_dma2 semaphore(%run_scoped3A : memref<!tpu.dma_semaphore, #tpu.memory_space<semaphore_mem>>) src(%dma_wait3A_98 : memref<80x256xi32, #tpu.memory_space<hbm>>) dst(%arg8 : memref<80x256xi32, #tpu.memory_space<vmem>>)
      tpu.yield
    }) : () -> ()
    %dma_start3A = arith.constant 0 : i32
    %dma_start3A_0 = arith.constant 0 : i32
    %dma_start3A_1 = arith.constant 0 : i32
    %dma_start3A_2 = arith.constant 0 : i32
    %dma_start3A_3 = tpu.memref_slice %arg9[%dma_start3A_0, %dma_start3A_1, %dma_start3A_2] : memref<4x256x64xbf16, #tpu.memory_space<vmem>> -> memref<1x256x64xbf16, #tpu.memory_space<vmem>>
    %dma_start3A_4 = tpu.memref_squeeze %dma_start3A_3 : memref<1x256x64xbf16, #tpu.memory_space<vmem>> -> memref<256x64xbf16, #tpu.memory_space<vmem>>
    %dma_start3A_5 = arith.constant 0 : i32
    %dma_start3A_6 = tpu.memref_slice %arg7[%dma_start3A, %dma_start3A_5] : memref<80x256xi32, #tpu.memory_space<vmem>> -> memref<1x256xi32, #tpu.memory_space<vmem>>
    %dma_start3A_7 = tpu.memref_squeeze %dma_start3A_6 : memref<1x256xi32, #tpu.memory_space<vmem>> -> memref<256xi32, #tpu.memory_space<vmem>>
    %dma_start3A_8 = arith.constant 0 : i32
    %dma_start3A_9 = arith.constant 0 : i32
    %dma_start3A_10 = tpu.memref_slice %arg2[%dma_start3A_8, %dma_start3A_9] : memref<20480x64xbf16, #tpu.memory_space<hbm>> -> memref<20480x64xbf16, #tpu.memory_space<hbm>>
    tpu.enqueue_indirect_dma source(%dma_start3A_10 : memref<20480x64xbf16, #tpu.memory_space<hbm>>) target(%dma_start3A_4 : memref<256x64xbf16, #tpu.memory_space<vmem>>) offsets(%dma_start3A_7 : memref<256xi32, #tpu.memory_space<vmem>>) semaphore(%arg11 : memref<!tpu.dma_semaphore, #tpu.memory_space<semaphore_mem>>)
    %dma_start3A_11 = arith.constant 1 : i32
    %dma_start3A_12 = arith.constant 1 : i32
    %dma_start3A_13 = arith.constant 0 : i32
    %dma_start3A_14 = arith.constant 0 : i32
    %dma_start3A_15 = tpu.memref_slice %arg9[%dma_start3A_12, %dma_start3A_13, %dma_start3A_14] : memref<4x256x64xbf16, #tpu.memory_space<vmem>> -> memref<1x256x64xbf16, #tpu.memory_space<vmem>>
    %dma_start3A_16 = tpu.memref_squeeze %dma_start3A_15 : memref<1x256x64xbf16, #tpu.memory_space<vmem>> -> memref<256x64xbf16, #tpu.memory_space<vmem>>
    %dma_start3A_17 = arith.constant 0 : i32
    %dma_start3A_18 = tpu.memref_slice %arg7[%dma_start3A_11, %dma_start3A_17] : memref<80x256xi32, #tpu.memory_space<vmem>> -> memref<1x256xi32, #tpu.memory_space<vmem>>
    %dma_start3A_19 = tpu.memref_squeeze %dma_start3A_18 : memref<1x256xi32, #tpu.memory_space<vmem>> -> memref<256xi32, #tpu.memory_space<vmem>>
    %dma_start3A_20 = arith.constant 0 : i32
    %dma_start3A_21 = arith.constant 0 : i32
    %dma_start3A_22 = tpu.memref_slice %arg2[%dma_start3A_20, %dma_start3A_21] : memref<20480x64xbf16, #tpu.memory_space<hbm>> -> memref<20480x64xbf16, #tpu.memory_space<hbm>>
    tpu.enqueue_indirect_dma source(%dma_start3A_22 : memref<20480x64xbf16, #tpu.memory_space<hbm>>) target(%dma_start3A_16 : memref<256x64xbf16, #tpu.memory_space<vmem>>) offsets(%dma_start3A_19 : memref<256xi32, #tpu.memory_space<vmem>>) semaphore(%arg12 : memref<!tpu.dma_semaphore, #tpu.memory_space<semaphore_mem>>)
    %mul3A = arith.constant 640 : i32
    %mul3A_23 = arith.muli %arg1, %mul3A : i32
    %mul3A_24 = arith.constant 640 : i32
    %mul3A_25 = arith.muli %arg1, %mul3A_24 : i32
    "tpu.region"() ({
      %run_scoped3A = tpu.sem_alloc : memref<!tpu.dma_semaphore, #tpu.memory_space<semaphore_mem>>
      %dma_start3A_83 = arith.constant 0 : i32
      %dma_start3A_84 = tpu.memref_slice %arg10[%mul3A_25, %dma_start3A_83] : memref<10240x64xbf16, #tpu.memory_space<vmem_shared>> -> memref<640x64xbf16, #tpu.memory_space<vmem_shared>>
      %dma_start3A_85 = arith.constant 0 : i32
      %dma_start3A_86 = tpu.memref_slice %arg5[%mul3A_23, %dma_start3A_85] : memref<10240x64xbf16, #tpu.memory_space<hbm>> -> memref<640x64xbf16, #tpu.memory_space<hbm>>
      tpu.enqueue_dma source(%dma_start3A_86 : memref<640x64xbf16, #tpu.memory_space<hbm>>) target(%dma_start3A_84 : memref<640x64xbf16, #tpu.memory_space<vmem_shared>>) target_semaphore(%run_scoped3A : memref<!tpu.dma_semaphore, #tpu.memory_space<semaphore_mem>>)
      %dma_wait3A_87 = arith.constant 0 : i32
      %dma_wait3A_88 = tpu.memref_slice %arg10[%mul3A_25, %dma_wait3A_87] : memref<10240x64xbf16, #tpu.memory_space<vmem_shared>> -> memref<640x64xbf16, #tpu.memory_space<vmem_shared>>
      %dma_wait3A_89 = arith.constant 0 : i32
      %dma_wait3A_90 = tpu.memref_slice %arg5[%mul3A_23, %dma_wait3A_89] : memref<10240x64xbf16, #tpu.memory_space<hbm>> -> memref<640x64xbf16, #tpu.memory_space<hbm>>
      tpu.wait_dma2 semaphore(%run_scoped3A : memref<!tpu.dma_semaphore, #tpu.memory_space<semaphore_mem>>) src(%dma_wait3A_90 : memref<640x64xbf16, #tpu.memory_space<hbm>>) dst(%dma_wait3A_88 : memref<640x64xbf16, #tpu.memory_space<vmem_shared>>)
      tpu.yield
    }) : () -> ()
    %barrier3A = arith.constant 0 : index
    tpu.barrier barrier_id(%barrier3A)
    %scan3A = arith.constant 0 : i32
    %scan3A_26 = arith.constant 0 : i32
    %scan3A_27 = arith.constant 20 : i32
    %scan3A_28 = arith.addi %scan3A_26, %scan3A_27 : i32
    %scan3A_29 = arith.constant 1 : i32
    scf.for %scan3A_83 = %scan3A_26 to %scan3A_28 step %scan3A_29  : i32 {
      %mul3A_84 = arith.constant 4 : i32
      %mul3A_85 = arith.muli %scan3A_83, %mul3A_84 : i32
      %add3A = arith.constant 0 : i32
      %add3A_86 = arith.addi %mul3A_85, %add3A : i32
      %dma_wait3A_87 = arith.constant 0 : i32
      %dma_wait3A_88 = arith.constant 0 : i32
      %dma_wait3A_89 = arith.constant 0 : i32
      %dma_wait3A_90 = tpu.memref_slice %arg9[%dma_wait3A_87, %dma_wait3A_88, %dma_wait3A_89] : memref<4x256x64xbf16, #tpu.memory_space<vmem>> -> memref<1x256x64xbf16, #tpu.memory_space<vmem>>
      %dma_wait3A_91 = tpu.memref_squeeze %dma_wait3A_90 : memref<1x256x64xbf16, #tpu.memory_space<vmem>> -> memref<256x64xbf16, #tpu.memory_space<vmem>>
      %dma_wait3A_92 = arith.constant 0 : i32
      %dma_wait3A_93 = tpu.memref_slice %arg7[%add3A_86, %dma_wait3A_92] : memref<80x256xi32, #tpu.memory_space<vmem>> -> memref<1x256xi32, #tpu.memory_space<vmem>>
      %dma_wait3A_94 = tpu.memref_squeeze %dma_wait3A_93 : memref<1x256xi32, #tpu.memory_space<vmem>> -> memref<256xi32, #tpu.memory_space<vmem>>
      %dma_wait3A_95 = arith.constant 0 : i32
      %dma_wait3A_96 = arith.constant 0 : i32
      %dma_wait3A_97 = tpu.memref_slice %arg2[%dma_wait3A_95, %dma_wait3A_96] : memref<20480x64xbf16, #tpu.memory_space<hbm>> -> memref<20480x64xbf16, #tpu.memory_space<hbm>>
      tpu.wait_indirect_dma semaphore(%arg11 : memref<!tpu.dma_semaphore, #tpu.memory_space<semaphore_mem>>) src(%dma_wait3A_97 : memref<20480x64xbf16, #tpu.memory_space<hbm>>) dst(%dma_wait3A_91 : memref<256x64xbf16, #tpu.memory_space<vmem>>)
      %dma_start3A_98 = arith.constant 0 : i32
      %dma_start3A_99 = arith.constant 0 : i32
      %dma_start3A_100 = arith.constant 0 : i32
      %dma_start3A_101 = tpu.memref_slice %arg9[%dma_start3A_98, %dma_start3A_99, %dma_start3A_100] : memref<4x256x64xbf16, #tpu.memory_space<vmem>> -> memref<1x256x64xbf16, #tpu.memory_space<vmem>>
      %dma_start3A_102 = tpu.memref_squeeze %dma_start3A_101 : memref<1x256x64xbf16, #tpu.memory_space<vmem>> -> memref<256x64xbf16, #tpu.memory_space<vmem>>
      %dma_start3A_103 = arith.constant 0 : i32
      %dma_start3A_104 = tpu.memref_slice %arg8[%add3A_86, %dma_start3A_103] : memref<80x256xi32, #tpu.memory_space<vmem>> -> memref<1x256xi32, #tpu.memory_space<vmem>>
      %dma_start3A_105 = tpu.memref_squeeze %dma_start3A_104 : memref<1x256xi32, #tpu.memory_space<vmem>> -> memref<256xi32, #tpu.memory_space<vmem>>
      %dma_start3A_106 = arith.constant 0 : i32
      %dma_start3A_107 = arith.constant 0 : i32
      %dma_start3A_108 = tpu.memref_slice %arg10[%dma_start3A_106, %dma_start3A_107] : memref<10240x64xbf16, #tpu.memory_space<vmem_shared>> -> memref<10240x64xbf16, #tpu.memory_space<vmem_shared>>
      tpu.enqueue_indirect_dma source(%dma_start3A_102 : memref<256x64xbf16, #tpu.memory_space<vmem>>) target(%dma_start3A_108 : memref<10240x64xbf16, #tpu.memory_space<vmem_shared>>) offsets(%dma_start3A_105 : memref<256xi32, #tpu.memory_space<vmem>>) semaphore(%arg15 : memref<!tpu.dma_semaphore, #tpu.memory_space<semaphore_mem>>) {add = true}
      %add3A_109 = arith.constant 2 : i32
      %add3A_110 = arith.addi %add3A_86, %add3A_109 : i32
      %lt3A = arith.constant 80 : i32
      %lt3A_111 = arith.cmpi slt, %add3A_110, %lt3A : i32
      %convert_element_type3A = arith.extui %lt3A_111 : i1 to i32
      %cond3A = arith.constant 0 : i32
      %cond3A_112 = arith.cmpi ne, %convert_element_type3A, %cond3A : i32
      scf.if %cond3A_112 {
        %ge3A = arith.constant 2 : i32
        %ge3A_206 = arith.cmpi sge, %add3A_86, %ge3A : i32
        %convert_element_type3A_207 = arith.extui %ge3A_206 : i1 to i32
        %cond3A_208 = arith.constant 0 : i32
        %cond3A_209 = arith.cmpi ne, %convert_element_type3A_207, %cond3A_208 : i32
        scf.if %cond3A_209 {
          %dma_wait3A_223 = arith.constant 2 : i32
          %dma_wait3A_224 = arith.constant 0 : i32
          %dma_wait3A_225 = arith.constant 0 : i32
          %dma_wait3A_226 = tpu.memref_slice %arg9[%dma_wait3A_223, %dma_wait3A_224, %dma_wait3A_225] : memref<4x256x64xbf16, #tpu.memory_space<vmem>> -> memref<1x256x64xbf16, #tpu.memory_space<vmem>>
          %dma_wait3A_227 = tpu.memref_squeeze %dma_wait3A_226 : memref<1x256x64xbf16, #tpu.memory_space<vmem>> -> memref<256x64xbf16, #tpu.memory_space<vmem>>
          %dma_wait3A_228 = arith.constant 0 : i32
          %dma_wait3A_229 = tpu.memref_slice %arg8[%add3A_86, %dma_wait3A_228] : memref<80x256xi32, #tpu.memory_space<vmem>> -> memref<1x256xi32, #tpu.memory_space<vmem>>
          %dma_wait3A_230 = tpu.memref_squeeze %dma_wait3A_229 : memref<1x256xi32, #tpu.memory_space<vmem>> -> memref<256xi32, #tpu.memory_space<vmem>>
          %dma_wait3A_231 = arith.constant 0 : i32
          %dma_wait3A_232 = arith.constant 0 : i32
          %dma_wait3A_233 = tpu.memref_slice %arg10[%dma_wait3A_231, %dma_wait3A_232] : memref<10240x64xbf16, #tpu.memory_space<vmem_shared>> -> memref<10240x64xbf16, #tpu.memory_space<vmem_shared>>
          tpu.wait_indirect_dma semaphore(%arg17 : memref<!tpu.dma_semaphore, #tpu.memory_space<semaphore_mem>>) src(%dma_wait3A_227 : memref<256x64xbf16, #tpu.memory_space<vmem>>) dst(%dma_wait3A_233 : memref<10240x64xbf16, #tpu.memory_space<vmem_shared>>)
        } else {
        }
        %add3A_210 = arith.constant 2 : i32
        %add3A_211 = arith.addi %add3A_86, %add3A_210 : i32
        %dma_start3A_212 = arith.constant 2 : i32
        %dma_start3A_213 = arith.constant 0 : i32
        %dma_start3A_214 = arith.constant 0 : i32
        %dma_start3A_215 = tpu.memref_slice %arg9[%dma_start3A_212, %dma_start3A_213, %dma_start3A_214] : memref<4x256x64xbf16, #tpu.memory_space<vmem>> -> memref<1x256x64xbf16, #tpu.memory_space<vmem>>
        %dma_start3A_216 = tpu.memref_squeeze %dma_start3A_215 : memref<1x256x64xbf16, #tpu.memory_space<vmem>> -> memref<256x64xbf16, #tpu.memory_space<vmem>>
        %dma_start3A_217 = arith.constant 0 : i32
        %dma_start3A_218 = tpu.memref_slice %arg7[%add3A_211, %dma_start3A_217] : memref<80x256xi32, #tpu.memory_space<vmem>> -> memref<1x256xi32, #tpu.memory_space<vmem>>
        %dma_start3A_219 = tpu.memref_squeeze %dma_start3A_218 : memref<1x256xi32, #tpu.memory_space<vmem>> -> memref<256xi32, #tpu.memory_space<vmem>>
        %dma_start3A_220 = arith.constant 0 : i32
        %dma_start3A_221 = arith.constant 0 : i32
        %dma_start3A_222 = tpu.memref_slice %arg2[%dma_start3A_220, %dma_start3A_221] : memref<20480x64xbf16, #tpu.memory_space<hbm>> -> memref<20480x64xbf16, #tpu.memory_space<hbm>>
        tpu.enqueue_indirect_dma source(%dma_start3A_222 : memref<20480x64xbf16, #tpu.memory_space<hbm>>) target(%dma_start3A_216 : memref<256x64xbf16, #tpu.memory_space<vmem>>) offsets(%dma_start3A_219 : memref<256xi32, #tpu.memory_space<vmem>>) semaphore(%arg13 : memref<!tpu.dma_semaphore, #tpu.memory_space<semaphore_mem>>)
      } else {
      }
      %add3A_113 = arith.constant 1 : i32
      %add3A_114 = arith.addi %mul3A_85, %add3A_113 : i32
      %dma_wait3A_115 = arith.constant 1 : i32
      %dma_wait3A_116 = arith.constant 0 : i32
      %dma_wait3A_117 = arith.constant 0 : i32
      %dma_wait3A_118 = tpu.memref_slice %arg9[%dma_wait3A_115, %dma_wait3A_116, %dma_wait3A_117] : memref<4x256x64xbf16, #tpu.memory_space<vmem>> -> memref<1x256x64xbf16, #tpu.memory_space<vmem>>
      %dma_wait3A_119 = tpu.memref_squeeze %dma_wait3A_118 : memref<1x256x64xbf16, #tpu.memory_space<vmem>> -> memref<256x64xbf16, #tpu.memory_space<vmem>>
      %dma_wait3A_120 = arith.constant 0 : i32
      %dma_wait3A_121 = tpu.memref_slice %arg7[%add3A_114, %dma_wait3A_120] : memref<80x256xi32, #tpu.memory_space<vmem>> -> memref<1x256xi32, #tpu.memory_space<vmem>>
      %dma_wait3A_122 = tpu.memref_squeeze %dma_wait3A_121 : memref<1x256xi32, #tpu.memory_space<vmem>> -> memref<256xi32, #tpu.memory_space<vmem>>
      %dma_wait3A_123 = arith.constant 0 : i32
      %dma_wait3A_124 = arith.constant 0 : i32
      %dma_wait3A_125 = tpu.memref_slice %arg2[%dma_wait3A_123, %dma_wait3A_124] : memref<20480x64xbf16, #tpu.memory_space<hbm>> -> memref<20480x64xbf16, #tpu.memory_space<hbm>>
      tpu.wait_indirect_dma semaphore(%arg12 : memref<!tpu.dma_semaphore, #tpu.memory_space<semaphore_mem>>) src(%dma_wait3A_125 : memref<20480x64xbf16, #tpu.memory_space<hbm>>) dst(%dma_wait3A_119 : memref<256x64xbf16, #tpu.memory_space<vmem>>)
      %dma_start3A_126 = arith.constant 1 : i32
      %dma_start3A_127 = arith.constant 0 : i32
      %dma_start3A_128 = arith.constant 0 : i32
      %dma_start3A_129 = tpu.memref_slice %arg9[%dma_start3A_126, %dma_start3A_127, %dma_start3A_128] : memref<4x256x64xbf16, #tpu.memory_space<vmem>> -> memref<1x256x64xbf16, #tpu.memory_space<vmem>>
      %dma_start3A_130 = tpu.memref_squeeze %dma_start3A_129 : memref<1x256x64xbf16, #tpu.memory_space<vmem>> -> memref<256x64xbf16, #tpu.memory_space<vmem>>
      %dma_start3A_131 = arith.constant 0 : i32
      %dma_start3A_132 = tpu.memref_slice %arg8[%add3A_114, %dma_start3A_131] : memref<80x256xi32, #tpu.memory_space<vmem>> -> memref<1x256xi32, #tpu.memory_space<vmem>>
      %dma_start3A_133 = tpu.memref_squeeze %dma_start3A_132 : memref<1x256xi32, #tpu.memory_space<vmem>> -> memref<256xi32, #tpu.memory_space<vmem>>
      %dma_start3A_134 = arith.constant 0 : i32
      %dma_start3A_135 = arith.constant 0 : i32
      %dma_start3A_136 = tpu.memref_slice %arg10[%dma_start3A_134, %dma_start3A_135] : memref<10240x64xbf16, #tpu.memory_space<vmem_shared>> -> memref<10240x64xbf16, #tpu.memory_space<vmem_shared>>
      tpu.enqueue_indirect_dma source(%dma_start3A_130 : memref<256x64xbf16, #tpu.memory_space<vmem>>) target(%dma_start3A_136 : memref<10240x64xbf16, #tpu.memory_space<vmem_shared>>) offsets(%dma_start3A_133 : memref<256xi32, #tpu.memory_space<vmem>>) semaphore(%arg16 : memref<!tpu.dma_semaphore, #tpu.memory_space<semaphore_mem>>) {add = true}
      %add3A_137 = arith.constant 2 : i32
      %add3A_138 = arith.addi %add3A_114, %add3A_137 : i32
      %lt3A_139 = arith.constant 80 : i32
      %lt3A_140 = arith.cmpi slt, %add3A_138, %lt3A_139 : i32
      %convert_element_type3A_141 = arith.extui %lt3A_140 : i1 to i32
      %cond3A_142 = arith.constant 0 : i32
      %cond3A_143 = arith.cmpi ne, %convert_element_type3A_141, %cond3A_142 : i32
      scf.if %cond3A_143 {
        %ge3A = arith.constant 2 : i32
        %ge3A_206 = arith.cmpi sge, %add3A_114, %ge3A : i32
        %convert_element_type3A_207 = arith.extui %ge3A_206 : i1 to i32
        %cond3A_208 = arith.constant 0 : i32
        %cond3A_209 = arith.cmpi ne, %convert_element_type3A_207, %cond3A_208 : i32
        scf.if %cond3A_209 {
          %dma_wait3A_223 = arith.constant 3 : i32
          %dma_wait3A_224 = arith.constant 0 : i32
          %dma_wait3A_225 = arith.constant 0 : i32
          %dma_wait3A_226 = tpu.memref_slice %arg9[%dma_wait3A_223, %dma_wait3A_224, %dma_wait3A_225] : memref<4x256x64xbf16, #tpu.memory_space<vmem>> -> memref<1x256x64xbf16, #tpu.memory_space<vmem>>
          %dma_wait3A_227 = tpu.memref_squeeze %dma_wait3A_226 : memref<1x256x64xbf16, #tpu.memory_space<vmem>> -> memref<256x64xbf16, #tpu.memory_space<vmem>>
          %dma_wait3A_228 = arith.constant 0 : i32
          %dma_wait3A_229 = tpu.memref_slice %arg8[%add3A_114, %dma_wait3A_228] : memref<80x256xi32, #tpu.memory_space<vmem>> -> memref<1x256xi32, #tpu.memory_space<vmem>>
          %dma_wait3A_230 = tpu.memref_squeeze %dma_wait3A_229 : memref<1x256xi32, #tpu.memory_space<vmem>> -> memref<256xi32, #tpu.memory_space<vmem>>
          %dma_wait3A_231 = arith.constant 0 : i32
          %dma_wait3A_232 = arith.constant 0 : i32
          %dma_wait3A_233 = tpu.memref_slice %arg10[%dma_wait3A_231, %dma_wait3A_232] : memref<10240x64xbf16, #tpu.memory_space<vmem_shared>> -> memref<10240x64xbf16, #tpu.memory_space<vmem_shared>>
          tpu.wait_indirect_dma semaphore(%arg18 : memref<!tpu.dma_semaphore, #tpu.memory_space<semaphore_mem>>) src(%dma_wait3A_227 : memref<256x64xbf16, #tpu.memory_space<vmem>>) dst(%dma_wait3A_233 : memref<10240x64xbf16, #tpu.memory_space<vmem_shared>>)
        } else {
        }
        %add3A_210 = arith.constant 2 : i32
        %add3A_211 = arith.addi %add3A_114, %add3A_210 : i32
        %dma_start3A_212 = arith.constant 3 : i32
        %dma_start3A_213 = arith.constant 0 : i32
        %dma_start3A_214 = arith.constant 0 : i32
        %dma_start3A_215 = tpu.memref_slice %arg9[%dma_start3A_212, %dma_start3A_213, %dma_start3A_214] : memref<4x256x64xbf16, #tpu.memory_space<vmem>> -> memref<1x256x64xbf16, #tpu.memory_space<vmem>>
        %dma_start3A_216 = tpu.memref_squeeze %dma_start3A_215 : memref<1x256x64xbf16, #tpu.memory_space<vmem>> -> memref<256x64xbf16, #tpu.memory_space<vmem>>
        %dma_start3A_217 = arith.constant 0 : i32
        %dma_start3A_218 = tpu.memref_slice %arg7[%add3A_211, %dma_start3A_217] : memref<80x256xi32, #tpu.memory_space<vmem>> -> memref<1x256xi32, #tpu.memory_space<vmem>>
        %dma_start3A_219 = tpu.memref_squeeze %dma_start3A_218 : memref<1x256xi32, #tpu.memory_space<vmem>> -> memref<256xi32, #tpu.memory_space<vmem>>
        %dma_start3A_220 = arith.constant 0 : i32
        %dma_start3A_221 = arith.constant 0 : i32
        %dma_start3A_222 = tpu.memref_slice %arg2[%dma_start3A_220, %dma_start3A_221] : memref<20480x64xbf16, #tpu.memory_space<hbm>> -> memref<20480x64xbf16, #tpu.memory_space<hbm>>
        tpu.enqueue_indirect_dma source(%dma_start3A_222 : memref<20480x64xbf16, #tpu.memory_space<hbm>>) target(%dma_start3A_216 : memref<256x64xbf16, #tpu.memory_space<vmem>>) offsets(%dma_start3A_219 : memref<256xi32, #tpu.memory_space<vmem>>) semaphore(%arg14 : memref<!tpu.dma_semaphore, #tpu.memory_space<semaphore_mem>>)
      } else {
      }
      %add3A_144 = arith.constant 2 : i32
      %add3A_145 = arith.addi %mul3A_85, %add3A_144 : i32
      %dma_wait3A_146 = arith.constant 2 : i32
      %dma_wait3A_147 = arith.constant 0 : i32
      %dma_wait3A_148 = arith.constant 0 : i32
      %dma_wait3A_149 = tpu.memref_slice %arg9[%dma_wait3A_146, %dma_wait3A_147, %dma_wait3A_148] : memref<4x256x64xbf16, #tpu.memory_space<vmem>> -> memref<1x256x64xbf16, #tpu.memory_space<vmem>>
      %dma_wait3A_150 = tpu.memref_squeeze %dma_wait3A_149 : memref<1x256x64xbf16, #tpu.memory_space<vmem>> -> memref<256x64xbf16, #tpu.memory_space<vmem>>
      %dma_wait3A_151 = arith.constant 0 : i32
      %dma_wait3A_152 = tpu.memref_slice %arg7[%add3A_145, %dma_wait3A_151] : memref<80x256xi32, #tpu.memory_space<vmem>> -> memref<1x256xi32, #tpu.memory_space<vmem>>
      %dma_wait3A_153 = tpu.memref_squeeze %dma_wait3A_152 : memref<1x256xi32, #tpu.memory_space<vmem>> -> memref<256xi32, #tpu.memory_space<vmem>>
      %dma_wait3A_154 = arith.constant 0 : i32
      %dma_wait3A_155 = arith.constant 0 : i32
      %dma_wait3A_156 = tpu.memref_slice %arg2[%dma_wait3A_154, %dma_wait3A_155] : memref<20480x64xbf16, #tpu.memory_space<hbm>> -> memref<20480x64xbf16, #tpu.memory_space<hbm>>
      tpu.wait_indirect_dma semaphore(%arg13 : memref<!tpu.dma_semaphore, #tpu.memory_space<semaphore_mem>>) src(%dma_wait3A_156 : memref<20480x64xbf16, #tpu.memory_space<hbm>>) dst(%dma_wait3A_150 : memref<256x64xbf16, #tpu.memory_space<vmem>>)
      %dma_start3A_157 = arith.constant 2 : i32
      %dma_start3A_158 = arith.constant 0 : i32
      %dma_start3A_159 = arith.constant 0 : i32
      %dma_start3A_160 = tpu.memref_slice %arg9[%dma_start3A_157, %dma_start3A_158, %dma_start3A_159] : memref<4x256x64xbf16, #tpu.memory_space<vmem>> -> memref<1x256x64xbf16, #tpu.memory_space<vmem>>
      %dma_start3A_161 = tpu.memref_squeeze %dma_start3A_160 : memref<1x256x64xbf16, #tpu.memory_space<vmem>> -> memref<256x64xbf16, #tpu.memory_space<vmem>>
      %dma_start3A_162 = arith.constant 0 : i32
      %dma_start3A_163 = tpu.memref_slice %arg8[%add3A_145, %dma_start3A_162] : memref<80x256xi32, #tpu.memory_space<vmem>> -> memref<1x256xi32, #tpu.memory_space<vmem>>
      %dma_start3A_164 = tpu.memref_squeeze %dma_start3A_163 : memref<1x256xi32, #tpu.memory_space<vmem>> -> memref<256xi32, #tpu.memory_space<vmem>>
      %dma_start3A_165 = arith.constant 0 : i32
      %dma_start3A_166 = arith.constant 0 : i32
      %dma_start3A_167 = tpu.memref_slice %arg10[%dma_start3A_165, %dma_start3A_166] : memref<10240x64xbf16, #tpu.memory_space<vmem_shared>> -> memref<10240x64xbf16, #tpu.memory_space<vmem_shared>>
      tpu.enqueue_indirect_dma source(%dma_start3A_161 : memref<256x64xbf16, #tpu.memory_space<vmem>>) target(%dma_start3A_167 : memref<10240x64xbf16, #tpu.memory_space<vmem_shared>>) offsets(%dma_start3A_164 : memref<256xi32, #tpu.memory_space<vmem>>) semaphore(%arg17 : memref<!tpu.dma_semaphore, #tpu.memory_space<semaphore_mem>>) {add = true}
      %add3A_168 = arith.constant 2 : i32
      %add3A_169 = arith.addi %add3A_145, %add3A_168 : i32
      %lt3A_170 = arith.constant 80 : i32
      %lt3A_171 = arith.cmpi slt, %add3A_169, %lt3A_170 : i32
      %convert_element_type3A_172 = arith.extui %lt3A_171 : i1 to i32
      %cond3A_173 = arith.constant 0 : i32
      %cond3A_174 = arith.cmpi ne, %convert_element_type3A_172, %cond3A_173 : i32
      scf.if %cond3A_174 {
        %ge3A = arith.constant 2 : i32
        %ge3A_206 = arith.cmpi sge, %add3A_145, %ge3A : i32
        %convert_element_type3A_207 = arith.extui %ge3A_206 : i1 to i32
        %cond3A_208 = arith.constant 0 : i32
        %cond3A_209 = arith.cmpi ne, %convert_element_type3A_207, %cond3A_208 : i32
        scf.if %cond3A_209 {
          %dma_wait3A_223 = arith.constant 0 : i32
          %dma_wait3A_224 = arith.constant 0 : i32
          %dma_wait3A_225 = arith.constant 0 : i32
          %dma_wait3A_226 = tpu.memref_slice %arg9[%dma_wait3A_223, %dma_wait3A_224, %dma_wait3A_225] : memref<4x256x64xbf16, #tpu.memory_space<vmem>> -> memref<1x256x64xbf16, #tpu.memory_space<vmem>>
          %dma_wait3A_227 = tpu.memref_squeeze %dma_wait3A_226 : memref<1x256x64xbf16, #tpu.memory_space<vmem>> -> memref<256x64xbf16, #tpu.memory_space<vmem>>
          %dma_wait3A_228 = arith.constant 0 : i32
          %dma_wait3A_229 = tpu.memref_slice %arg8[%add3A_145, %dma_wait3A_228] : memref<80x256xi32, #tpu.memory_space<vmem>> -> memref<1x256xi32, #tpu.memory_space<vmem>>
          %dma_wait3A_230 = tpu.memref_squeeze %dma_wait3A_229 : memref<1x256xi32, #tpu.memory_space<vmem>> -> memref<256xi32, #tpu.memory_space<vmem>>
          %dma_wait3A_231 = arith.constant 0 : i32
          %dma_wait3A_232 = arith.constant 0 : i32
          %dma_wait3A_233 = tpu.memref_slice %arg10[%dma_wait3A_231, %dma_wait3A_232] : memref<10240x64xbf16, #tpu.memory_space<vmem_shared>> -> memref<10240x64xbf16, #tpu.memory_space<vmem_shared>>
          tpu.wait_indirect_dma semaphore(%arg15 : memref<!tpu.dma_semaphore, #tpu.memory_space<semaphore_mem>>) src(%dma_wait3A_227 : memref<256x64xbf16, #tpu.memory_space<vmem>>) dst(%dma_wait3A_233 : memref<10240x64xbf16, #tpu.memory_space<vmem_shared>>)
        } else {
        }
        %add3A_210 = arith.constant 2 : i32
        %add3A_211 = arith.addi %add3A_145, %add3A_210 : i32
        %dma_start3A_212 = arith.constant 0 : i32
        %dma_start3A_213 = arith.constant 0 : i32
        %dma_start3A_214 = arith.constant 0 : i32
        %dma_start3A_215 = tpu.memref_slice %arg9[%dma_start3A_212, %dma_start3A_213, %dma_start3A_214] : memref<4x256x64xbf16, #tpu.memory_space<vmem>> -> memref<1x256x64xbf16, #tpu.memory_space<vmem>>
        %dma_start3A_216 = tpu.memref_squeeze %dma_start3A_215 : memref<1x256x64xbf16, #tpu.memory_space<vmem>> -> memref<256x64xbf16, #tpu.memory_space<vmem>>
        %dma_start3A_217 = arith.constant 0 : i32
        %dma_start3A_218 = tpu.memref_slice %arg7[%add3A_211, %dma_start3A_217] : memref<80x256xi32, #tpu.memory_space<vmem>> -> memref<1x256xi32, #tpu.memory_space<vmem>>
        %dma_start3A_219 = tpu.memref_squeeze %dma_start3A_218 : memref<1x256xi32, #tpu.memory_space<vmem>> -> memref<256xi32, #tpu.memory_space<vmem>>
        %dma_start3A_220 = arith.constant 0 : i32
        %dma_start3A_221 = arith.constant 0 : i32
        %dma_start3A_222 = tpu.memref_slice %arg2[%dma_start3A_220, %dma_start3A_221] : memref<20480x64xbf16, #tpu.memory_space<hbm>> -> memref<20480x64xbf16, #tpu.memory_space<hbm>>
        tpu.enqueue_indirect_dma source(%dma_start3A_222 : memref<20480x64xbf16, #tpu.memory_space<hbm>>) target(%dma_start3A_216 : memref<256x64xbf16, #tpu.memory_space<vmem>>) offsets(%dma_start3A_219 : memref<256xi32, #tpu.memory_space<vmem>>) semaphore(%arg11 : memref<!tpu.dma_semaphore, #tpu.memory_space<semaphore_mem>>)
      } else {
      }
      %add3A_175 = arith.constant 3 : i32
      %add3A_176 = arith.addi %mul3A_85, %add3A_175 : i32
      %dma_wait3A_177 = arith.constant 3 : i32
      %dma_wait3A_178 = arith.constant 0 : i32
      %dma_wait3A_179 = arith.constant 0 : i32
      %dma_wait3A_180 = tpu.memref_slice %arg9[%dma_wait3A_177, %dma_wait3A_178, %dma_wait3A_179] : memref<4x256x64xbf16, #tpu.memory_space<vmem>> -> memref<1x256x64xbf16, #tpu.memory_space<vmem>>
      %dma_wait3A_181 = tpu.memref_squeeze %dma_wait3A_180 : memref<1x256x64xbf16, #tpu.memory_space<vmem>> -> memref<256x64xbf16, #tpu.memory_space<vmem>>
      %dma_wait3A_182 = arith.constant 0 : i32
      %dma_wait3A_183 = tpu.memref_slice %arg7[%add3A_176, %dma_wait3A_182] : memref<80x256xi32, #tpu.memory_space<vmem>> -> memref<1x256xi32, #tpu.memory_space<vmem>>
      %dma_wait3A_184 = tpu.memref_squeeze %dma_wait3A_183 : memref<1x256xi32, #tpu.memory_space<vmem>> -> memref<256xi32, #tpu.memory_space<vmem>>
      %dma_wait3A_185 = arith.constant 0 : i32
      %dma_wait3A_186 = arith.constant 0 : i32
      %dma_wait3A_187 = tpu.memref_slice %arg2[%dma_wait3A_185, %dma_wait3A_186] : memref<20480x64xbf16, #tpu.memory_space<hbm>> -> memref<20480x64xbf16, #tpu.memory_space<hbm>>
      tpu.wait_indirect_dma semaphore(%arg14 : memref<!tpu.dma_semaphore, #tpu.memory_space<semaphore_mem>>) src(%dma_wait3A_187 : memref<20480x64xbf16, #tpu.memory_space<hbm>>) dst(%dma_wait3A_181 : memref<256x64xbf16, #tpu.memory_space<vmem>>)
      %dma_start3A_188 = arith.constant 3 : i32
      %dma_start3A_189 = arith.constant 0 : i32
      %dma_start3A_190 = arith.constant 0 : i32
      %dma_start3A_191 = tpu.memref_slice %arg9[%dma_start3A_188, %dma_start3A_189, %dma_start3A_190] : memref<4x256x64xbf16, #tpu.memory_space<vmem>> -> memref<1x256x64xbf16, #tpu.memory_space<vmem>>
      %dma_start3A_192 = tpu.memref_squeeze %dma_start3A_191 : memref<1x256x64xbf16, #tpu.memory_space<vmem>> -> memref<256x64xbf16, #tpu.memory_space<vmem>>
      %dma_start3A_193 = arith.constant 0 : i32
      %dma_start3A_194 = tpu.memref_slice %arg8[%add3A_176, %dma_start3A_193] : memref<80x256xi32, #tpu.memory_space<vmem>> -> memref<1x256xi32, #tpu.memory_space<vmem>>
      %dma_start3A_195 = tpu.memref_squeeze %dma_start3A_194 : memref<1x256xi32, #tpu.memory_space<vmem>> -> memref<256xi32, #tpu.memory_space<vmem>>
      %dma_start3A_196 = arith.constant 0 : i32
      %dma_start3A_197 = arith.constant 0 : i32
      %dma_start3A_198 = tpu.memref_slice %arg10[%dma_start3A_196, %dma_start3A_197] : memref<10240x64xbf16, #tpu.memory_space<vmem_shared>> -> memref<10240x64xbf16, #tpu.memory_space<vmem_shared>>
      tpu.enqueue_indirect_dma source(%dma_start3A_192 : memref<256x64xbf16, #tpu.memory_space<vmem>>) target(%dma_start3A_198 : memref<10240x64xbf16, #tpu.memory_space<vmem_shared>>) offsets(%dma_start3A_195 : memref<256xi32, #tpu.memory_space<vmem>>) semaphore(%arg18 : memref<!tpu.dma_semaphore, #tpu.memory_space<semaphore_mem>>) {add = true}
      %add3A_199 = arith.constant 2 : i32
      %add3A_200 = arith.addi %add3A_176, %add3A_199 : i32
      %lt3A_201 = arith.constant 80 : i32
      %lt3A_202 = arith.cmpi slt, %add3A_200, %lt3A_201 : i32
      %convert_element_type3A_203 = arith.extui %lt3A_202 : i1 to i32
      %cond3A_204 = arith.constant 0 : i32
      %cond3A_205 = arith.cmpi ne, %convert_element_type3A_203, %cond3A_204 : i32
      scf.if %cond3A_205 {
        %ge3A = arith.constant 2 : i32
        %ge3A_206 = arith.cmpi sge, %add3A_176, %ge3A : i32
        %convert_element_type3A_207 = arith.extui %ge3A_206 : i1 to i32
        %cond3A_208 = arith.constant 0 : i32
        %cond3A_209 = arith.cmpi ne, %convert_element_type3A_207, %cond3A_208 : i32
        scf.if %cond3A_209 {
          %dma_wait3A_223 = arith.constant 1 : i32
          %dma_wait3A_224 = arith.constant 0 : i32
          %dma_wait3A_225 = arith.constant 0 : i32
          %dma_wait3A_226 = tpu.memref_slice %arg9[%dma_wait3A_223, %dma_wait3A_224, %dma_wait3A_225] : memref<4x256x64xbf16, #tpu.memory_space<vmem>> -> memref<1x256x64xbf16, #tpu.memory_space<vmem>>
          %dma_wait3A_227 = tpu.memref_squeeze %dma_wait3A_226 : memref<1x256x64xbf16, #tpu.memory_space<vmem>> -> memref<256x64xbf16, #tpu.memory_space<vmem>>
          %dma_wait3A_228 = arith.constant 0 : i32
          %dma_wait3A_229 = tpu.memref_slice %arg8[%add3A_176, %dma_wait3A_228] : memref<80x256xi32, #tpu.memory_space<vmem>> -> memref<1x256xi32, #tpu.memory_space<vmem>>
          %dma_wait3A_230 = tpu.memref_squeeze %dma_wait3A_229 : memref<1x256xi32, #tpu.memory_space<vmem>> -> memref<256xi32, #tpu.memory_space<vmem>>
          %dma_wait3A_231 = arith.constant 0 : i32
          %dma_wait3A_232 = arith.constant 0 : i32
          %dma_wait3A_233 = tpu.memref_slice %arg10[%dma_wait3A_231, %dma_wait3A_232] : memref<10240x64xbf16, #tpu.memory_space<vmem_shared>> -> memref<10240x64xbf16, #tpu.memory_space<vmem_shared>>
          tpu.wait_indirect_dma semaphore(%arg16 : memref<!tpu.dma_semaphore, #tpu.memory_space<semaphore_mem>>) src(%dma_wait3A_227 : memref<256x64xbf16, #tpu.memory_space<vmem>>) dst(%dma_wait3A_233 : memref<10240x64xbf16, #tpu.memory_space<vmem_shared>>)
        } else {
        }
        %add3A_210 = arith.constant 2 : i32
        %add3A_211 = arith.addi %add3A_176, %add3A_210 : i32
        %dma_start3A_212 = arith.constant 1 : i32
        %dma_start3A_213 = arith.constant 0 : i32
        %dma_start3A_214 = arith.constant 0 : i32
        %dma_start3A_215 = tpu.memref_slice %arg9[%dma_start3A_212, %dma_start3A_213, %dma_start3A_214] : memref<4x256x64xbf16, #tpu.memory_space<vmem>> -> memref<1x256x64xbf16, #tpu.memory_space<vmem>>
        %dma_start3A_216 = tpu.memref_squeeze %dma_start3A_215 : memref<1x256x64xbf16, #tpu.memory_space<vmem>> -> memref<256x64xbf16, #tpu.memory_space<vmem>>
        %dma_start3A_217 = arith.constant 0 : i32
        %dma_start3A_218 = tpu.memref_slice %arg7[%add3A_211, %dma_start3A_217] : memref<80x256xi32, #tpu.memory_space<vmem>> -> memref<1x256xi32, #tpu.memory_space<vmem>>
        %dma_start3A_219 = tpu.memref_squeeze %dma_start3A_218 : memref<1x256xi32, #tpu.memory_space<vmem>> -> memref<256xi32, #tpu.memory_space<vmem>>
        %dma_start3A_220 = arith.constant 0 : i32
        %dma_start3A_221 = arith.constant 0 : i32
        %dma_start3A_222 = tpu.memref_slice %arg2[%dma_start3A_220, %dma_start3A_221] : memref<20480x64xbf16, #tpu.memory_space<hbm>> -> memref<20480x64xbf16, #tpu.memory_space<hbm>>
        tpu.enqueue_indirect_dma source(%dma_start3A_222 : memref<20480x64xbf16, #tpu.memory_space<hbm>>) target(%dma_start3A_216 : memref<256x64xbf16, #tpu.memory_space<vmem>>) offsets(%dma_start3A_219 : memref<256xi32, #tpu.memory_space<vmem>>) semaphore(%arg12 : memref<!tpu.dma_semaphore, #tpu.memory_space<semaphore_mem>>)
      } else {
      }
    }
    %scan3A_30 = arith.constant 20 : i32
    %dma_wait3A = arith.constant 0 : i32
    %dma_wait3A_31 = arith.constant 0 : i32
    %dma_wait3A_32 = arith.constant 0 : i32
    %dma_wait3A_33 = arith.constant 0 : i32
    %dma_wait3A_34 = tpu.memref_slice %arg9[%dma_wait3A, %dma_wait3A_32, %dma_wait3A_33] : memref<4x256x64xbf16, #tpu.memory_space<vmem>> -> memref<1x256x64xbf16, #tpu.memory_space<vmem>>
    %dma_wait3A_35 = tpu.memref_squeeze %dma_wait3A_34 : memref<1x256x64xbf16, #tpu.memory_space<vmem>> -> memref<256x64xbf16, #tpu.memory_space<vmem>>
    %dma_wait3A_36 = arith.constant 0 : i32
    %dma_wait3A_37 = tpu.memref_slice %arg8[%dma_wait3A_31, %dma_wait3A_36] : memref<80x256xi32, #tpu.memory_space<vmem>> -> memref<1x256xi32, #tpu.memory_space<vmem>>
    %dma_wait3A_38 = tpu.memref_squeeze %dma_wait3A_37 : memref<1x256xi32, #tpu.memory_space<vmem>> -> memref<256xi32, #tpu.memory_space<vmem>>
    %dma_wait3A_39 = arith.constant 0 : i32
    %dma_wait3A_40 = arith.constant 0 : i32
    %dma_wait3A_41 = tpu.memref_slice %arg10[%dma_wait3A_39, %dma_wait3A_40] : memref<10240x64xbf16, #tpu.memory_space<vmem_shared>> -> memref<10240x64xbf16, #tpu.memory_space<vmem_shared>>
    tpu.wait_indirect_dma semaphore(%arg15 : memref<!tpu.dma_semaphore, #tpu.memory_space<semaphore_mem>>) src(%dma_wait3A_35 : memref<256x64xbf16, #tpu.memory_space<vmem>>) dst(%dma_wait3A_41 : memref<10240x64xbf16, #tpu.memory_space<vmem_shared>>)
    %dma_wait3A_42 = arith.constant 1 : i32
    %dma_wait3A_43 = arith.constant 0 : i32
    %dma_wait3A_44 = arith.constant 0 : i32
    %dma_wait3A_45 = arith.constant 0 : i32
    %dma_wait3A_46 = tpu.memref_slice %arg9[%dma_wait3A_42, %dma_wait3A_44, %dma_wait3A_45] : memref<4x256x64xbf16, #tpu.memory_space<vmem>> -> memref<1x256x64xbf16, #tpu.memory_space<vmem>>
    %dma_wait3A_47 = tpu.memref_squeeze %dma_wait3A_46 : memref<1x256x64xbf16, #tpu.memory_space<vmem>> -> memref<256x64xbf16, #tpu.memory_space<vmem>>
    %dma_wait3A_48 = arith.constant 0 : i32
    %dma_wait3A_49 = tpu.memref_slice %arg8[%dma_wait3A_43, %dma_wait3A_48] : memref<80x256xi32, #tpu.memory_space<vmem>> -> memref<1x256xi32, #tpu.memory_space<vmem>>
    %dma_wait3A_50 = tpu.memref_squeeze %dma_wait3A_49 : memref<1x256xi32, #tpu.memory_space<vmem>> -> memref<256xi32, #tpu.memory_space<vmem>>
    %dma_wait3A_51 = arith.constant 0 : i32
    %dma_wait3A_52 = arith.constant 0 : i32
    %dma_wait3A_53 = tpu.memref_slice %arg10[%dma_wait3A_51, %dma_wait3A_52] : memref<10240x64xbf16, #tpu.memory_space<vmem_shared>> -> memref<10240x64xbf16, #tpu.memory_space<vmem_shared>>
    tpu.wait_indirect_dma semaphore(%arg16 : memref<!tpu.dma_semaphore, #tpu.memory_space<semaphore_mem>>) src(%dma_wait3A_47 : memref<256x64xbf16, #tpu.memory_space<vmem>>) dst(%dma_wait3A_53 : memref<10240x64xbf16, #tpu.memory_space<vmem_shared>>)
    %dma_wait3A_54 = arith.constant 2 : i32
    %dma_wait3A_55 = arith.constant 0 : i32
    %dma_wait3A_56 = arith.constant 0 : i32
    %dma_wait3A_57 = arith.constant 0 : i32
    %dma_wait3A_58 = tpu.memref_slice %arg9[%dma_wait3A_54, %dma_wait3A_56, %dma_wait3A_57] : memref<4x256x64xbf16, #tpu.memory_space<vmem>> -> memref<1x256x64xbf16, #tpu.memory_space<vmem>>
    %dma_wait3A_59 = tpu.memref_squeeze %dma_wait3A_58 : memref<1x256x64xbf16, #tpu.memory_space<vmem>> -> memref<256x64xbf16, #tpu.memory_space<vmem>>
    %dma_wait3A_60 = arith.constant 0 : i32
    %dma_wait3A_61 = tpu.memref_slice %arg8[%dma_wait3A_55, %dma_wait3A_60] : memref<80x256xi32, #tpu.memory_space<vmem>> -> memref<1x256xi32, #tpu.memory_space<vmem>>
    %dma_wait3A_62 = tpu.memref_squeeze %dma_wait3A_61 : memref<1x256xi32, #tpu.memory_space<vmem>> -> memref<256xi32, #tpu.memory_space<vmem>>
    %dma_wait3A_63 = arith.constant 0 : i32
    %dma_wait3A_64 = arith.constant 0 : i32
    %dma_wait3A_65 = tpu.memref_slice %arg10[%dma_wait3A_63, %dma_wait3A_64] : memref<10240x64xbf16, #tpu.memory_space<vmem_shared>> -> memref<10240x64xbf16, #tpu.memory_space<vmem_shared>>
    tpu.wait_indirect_dma semaphore(%arg17 : memref<!tpu.dma_semaphore, #tpu.memory_space<semaphore_mem>>) src(%dma_wait3A_59 : memref<256x64xbf16, #tpu.memory_space<vmem>>) dst(%dma_wait3A_65 : memref<10240x64xbf16, #tpu.memory_space<vmem_shared>>)
    %dma_wait3A_66 = arith.constant 3 : i32
    %dma_wait3A_67 = arith.constant 0 : i32
    %dma_wait3A_68 = arith.constant 0 : i32
    %dma_wait3A_69 = arith.constant 0 : i32
    %dma_wait3A_70 = tpu.memref_slice %arg9[%dma_wait3A_66, %dma_wait3A_68, %dma_wait3A_69] : memref<4x256x64xbf16, #tpu.memory_space<vmem>> -> memref<1x256x64xbf16, #tpu.memory_space<vmem>>
    %dma_wait3A_71 = tpu.memref_squeeze %dma_wait3A_70 : memref<1x256x64xbf16, #tpu.memory_space<vmem>> -> memref<256x64xbf16, #tpu.memory_space<vmem>>
    %dma_wait3A_72 = arith.constant 0 : i32
    %dma_wait3A_73 = tpu.memref_slice %arg8[%dma_wait3A_67, %dma_wait3A_72] : memref<80x256xi32, #tpu.memory_space<vmem>> -> memref<1x256xi32, #tpu.memory_space<vmem>>
    %dma_wait3A_74 = tpu.memref_squeeze %dma_wait3A_73 : memref<1x256xi32, #tpu.memory_space<vmem>> -> memref<256xi32, #tpu.memory_space<vmem>>
    %dma_wait3A_75 = arith.constant 0 : i32
    %dma_wait3A_76 = arith.constant 0 : i32
    %dma_wait3A_77 = tpu.memref_slice %arg10[%dma_wait3A_75, %dma_wait3A_76] : memref<10240x64xbf16, #tpu.memory_space<vmem_shared>> -> memref<10240x64xbf16, #tpu.memory_space<vmem_shared>>
    tpu.wait_indirect_dma semaphore(%arg18 : memref<!tpu.dma_semaphore, #tpu.memory_space<semaphore_mem>>) src(%dma_wait3A_71 : memref<256x64xbf16, #tpu.memory_space<vmem>>) dst(%dma_wait3A_77 : memref<10240x64xbf16, #tpu.memory_space<vmem_shared>>)
    %barrier3A_78 = arith.constant 0 : index
    tpu.barrier barrier_id(%barrier3A_78)
    %mul3A_79 = arith.constant 640 : i32
    %mul3A_80 = arith.muli %arg1, %mul3A_79 : i32
    %mul3A_81 = arith.constant 640 : i32
    %mul3A_82 = arith.muli %arg1, %mul3A_81 : i32
    "tpu.region"() ({
      %run_scoped3A = tpu.sem_alloc : memref<!tpu.dma_semaphore, #tpu.memory_space<semaphore_mem>>
      %dma_start3A_83 = arith.constant 0 : i32
      %dma_start3A_84 = tpu.memref_slice %arg6[%arg0, %mul3A_82, %dma_start3A_83] : memref<2x10240x64xbf16, #tpu.memory_space<hbm>> -> memref<1x640x64xbf16, #tpu.memory_space<hbm>>
      %dma_start3A_85 = tpu.memref_squeeze %dma_start3A_84 : memref<1x640x64xbf16, #tpu.memory_space<hbm>> -> memref<640x64xbf16, #tpu.memory_space<hbm>>
      %dma_start3A_86 = arith.constant 0 : i32
      %dma_start3A_87 = tpu.memref_slice %arg10[%mul3A_80, %dma_start3A_86] : memref<10240x64xbf16, #tpu.memory_space<vmem_shared>> -> memref<640x64xbf16, #tpu.memory_space<vmem_shared>>
      tpu.enqueue_dma source(%dma_start3A_87 : memref<640x64xbf16, #tpu.memory_space<vmem_shared>>) target(%dma_start3A_85 : memref<640x64xbf16, #tpu.memory_space<hbm>>) target_semaphore(%run_scoped3A : memref<!tpu.dma_semaphore, #tpu.memory_space<semaphore_mem>>)
      %dma_wait3A_88 = arith.constant 0 : i32
      %dma_wait3A_89 = tpu.memref_slice %arg6[%arg0, %mul3A_82, %dma_wait3A_88] : memref<2x10240x64xbf16, #tpu.memory_space<hbm>> -> memref<1x640x64xbf16, #tpu.memory_space<hbm>>
      %dma_wait3A_90 = tpu.memref_squeeze %dma_wait3A_89 : memref<1x640x64xbf16, #tpu.memory_space<hbm>> -> memref<640x64xbf16, #tpu.memory_space<hbm>>
      %dma_wait3A_91 = arith.constant 0 : i32
      %dma_wait3A_92 = tpu.memref_slice %arg10[%mul3A_80, %dma_wait3A_91] : memref<10240x64xbf16, #tpu.memory_space<vmem_shared>> -> memref<640x64xbf16, #tpu.memory_space<vmem_shared>>
      tpu.wait_dma2 semaphore(%run_scoped3A : memref<!tpu.dma_semaphore, #tpu.memory_space<semaphore_mem>>) src(%dma_wait3A_92 : memref<640x64xbf16, #tpu.memory_space<vmem_shared>>) dst(%dma_wait3A_90 : memref<640x64xbf16, #tpu.memory_space<hbm>>)
      tpu.yield
    }) : () -> ()
    return
  }
}

#map = affine_map<(d0, d1) -> (0, 0)>
#map1 = affine_map<(d0, d1) -> (0, 0, 0, 0)>
#map2 = affine_map<(d0, d1) -> (0, 0, 0)>
module attributes {stable_mosaic.version = 14 : i64} {
  func.func @body(%arg0: i32, %arg1: i32, %arg2: memref<20480x64xbf16, #tpu.memory_space<hbm>>, %arg3: memref<2x16x80x256xi32, #tpu.memory_space<hbm>>, %arg4: memref<16x80x256xi32, #tpu.memory_space<hbm>>, %arg5: memref<10240x64xbf16, #tpu.memory_space<hbm>>, %arg6: memref<10240x16xf32, #tpu.memory_space<hbm>>, %arg7: memref<256x16xf32, #tpu.memory_space<hbm>>, %arg8: memref<2x10240x64xbf16, #tpu.memory_space<hbm>>, %arg9: memref<2x10240x16xf32, #tpu.memory_space<hbm>>, %arg10: memref<80x256xi32, #tpu.memory_space<vmem>>, %arg11: memref<80x256xi32, #tpu.memory_space<vmem>>, %arg12: memref<4x256x64xbf16, #tpu.memory_space<vmem>>, %arg13: memref<256x16xf32, #tpu.memory_space<vmem>>, %arg14: memref<10240x64xbf16, #tpu.memory_space<vmem_shared>>, %arg15: memref<10240x16xf32, #tpu.memory_space<vmem_shared>>, %arg16: memref<!tpu.dma_semaphore, #tpu.memory_space<semaphore_mem>>, %arg17: memref<!tpu.dma_semaphore, #tpu.memory_space<semaphore_mem>>, %arg18: memref<!tpu.dma_semaphore, #tpu.memory_space<semaphore_mem>>, %arg19: memref<!tpu.dma_semaphore, #tpu.memory_space<semaphore_mem>>, %arg20: memref<!tpu.dma_semaphore, #tpu.memory_space<semaphore_mem>>, %arg21: memref<!tpu.dma_semaphore, #tpu.memory_space<semaphore_mem>>, %arg22: memref<!tpu.dma_semaphore, #tpu.memory_space<semaphore_mem>>, %arg23: memref<!tpu.dma_semaphore, #tpu.memory_space<semaphore_mem>>, %arg24: memref<!tpu.dma_semaphore, #tpu.memory_space<semaphore_mem>>) attributes {dimension_semantics = [#tpu.dimension_semantics<core_parallel>, #tpu.dimension_semantics<subcore_parallel>], iteration_bounds = array<i64: 2, 16>, scalar_prefetch = 0 : i64, scratch_operands = 15 : i64, tpu.core_type = #tpu.core_type<sc_vector_subcore>, window_params = [{transform_indices = #map}, {transform_indices = #map1}, {transform_indices = #map2}, {transform_indices = #map}, {transform_indices = #map}, {transform_indices = #map}, {transform_indices = #map2}, {transform_indices = #map2}]} {
    "tpu.region"() ({
      %run_scoped3A = tpu.sem_alloc : memref<!tpu.dma_semaphore, #tpu.memory_space<semaphore_mem>>
      %dma_start3A_98 = arith.constant 0 : i32
      %dma_start3A_99 = arith.constant 0 : i32
      %dma_start3A_100 = tpu.memref_slice %arg3[%arg0, %arg1, %dma_start3A_98, %dma_start3A_99] : memref<2x16x80x256xi32, #tpu.memory_space<hbm>> -> memref<1x1x80x256xi32, #tpu.memory_space<hbm>>
      %dma_start3A_101 = tpu.memref_squeeze %dma_start3A_100 : memref<1x1x80x256xi32, #tpu.memory_space<hbm>> -> memref<80x256xi32, #tpu.memory_space<hbm>>
      %dma_start3A_102 = arith.constant 0 : i32
      %dma_start3A_103 = arith.constant 0 : i32
      %dma_start3A_104 = tpu.memref_slice %arg3[%arg0, %arg1, %dma_start3A_102, %dma_start3A_103] : memref<2x16x80x256xi32, #tpu.memory_space<hbm>> -> memref<1x1x80x256xi32, #tpu.memory_space<hbm>>
      %dma_start3A_105 = tpu.memref_squeeze %dma_start3A_104 : memref<1x1x80x256xi32, #tpu.memory_space<hbm>> -> memref<80x256xi32, #tpu.memory_space<hbm>>
      tpu.enqueue_dma source(%dma_start3A_105 : memref<80x256xi32, #tpu.memory_space<hbm>>) target(%arg10 : memref<80x256xi32, #tpu.memory_space<vmem>>) target_semaphore(%run_scoped3A : memref<!tpu.dma_semaphore, #tpu.memory_space<semaphore_mem>>)
      %dma_wait3A_106 = arith.constant 0 : i32
      %dma_wait3A_107 = arith.constant 0 : i32
      %dma_wait3A_108 = tpu.memref_slice %arg3[%arg0, %arg1, %dma_wait3A_106, %dma_wait3A_107] : memref<2x16x80x256xi32, #tpu.memory_space<hbm>> -> memref<1x1x80x256xi32, #tpu.memory_space<hbm>>
      %dma_wait3A_109 = tpu.memref_squeeze %dma_wait3A_108 : memref<1x1x80x256xi32, #tpu.memory_space<hbm>> -> memref<80x256xi32, #tpu.memory_space<hbm>>
      %dma_wait3A_110 = arith.constant 0 : i32
      %dma_wait3A_111 = arith.constant 0 : i32
      %dma_wait3A_112 = tpu.memref_slice %arg3[%arg0, %arg1, %dma_wait3A_110, %dma_wait3A_111] : memref<2x16x80x256xi32, #tpu.memory_space<hbm>> -> memref<1x1x80x256xi32, #tpu.memory_space<hbm>>
      %dma_wait3A_113 = tpu.memref_squeeze %dma_wait3A_112 : memref<1x1x80x256xi32, #tpu.memory_space<hbm>> -> memref<80x256xi32, #tpu.memory_space<hbm>>
      tpu.wait_dma2 semaphore(%run_scoped3A : memref<!tpu.dma_semaphore, #tpu.memory_space<semaphore_mem>>) src(%dma_wait3A_113 : memref<80x256xi32, #tpu.memory_space<hbm>>) dst(%arg10 : memref<80x256xi32, #tpu.memory_space<vmem>>)
      tpu.yield
    }) : () -> ()
    "tpu.region"() ({
      %run_scoped3A = tpu.sem_alloc : memref<!tpu.dma_semaphore, #tpu.memory_space<semaphore_mem>>
      %dma_start3A_98 = arith.constant 0 : i32
      %dma_start3A_99 = arith.constant 0 : i32
      %dma_start3A_100 = tpu.memref_slice %arg4[%arg1, %dma_start3A_98, %dma_start3A_99] : memref<16x80x256xi32, #tpu.memory_space<hbm>> -> memref<1x80x256xi32, #tpu.memory_space<hbm>>
      %dma_start3A_101 = tpu.memref_squeeze %dma_start3A_100 : memref<1x80x256xi32, #tpu.memory_space<hbm>> -> memref<80x256xi32, #tpu.memory_space<hbm>>
      %dma_start3A_102 = arith.constant 0 : i32
      %dma_start3A_103 = arith.constant 0 : i32
      %dma_start3A_104 = tpu.memref_slice %arg4[%arg1, %dma_start3A_102, %dma_start3A_103] : memref<16x80x256xi32, #tpu.memory_space<hbm>> -> memref<1x80x256xi32, #tpu.memory_space<hbm>>
      %dma_start3A_105 = tpu.memref_squeeze %dma_start3A_104 : memref<1x80x256xi32, #tpu.memory_space<hbm>> -> memref<80x256xi32, #tpu.memory_space<hbm>>
      tpu.enqueue_dma source(%dma_start3A_105 : memref<80x256xi32, #tpu.memory_space<hbm>>) target(%arg11 : memref<80x256xi32, #tpu.memory_space<vmem>>) target_semaphore(%run_scoped3A : memref<!tpu.dma_semaphore, #tpu.memory_space<semaphore_mem>>)
      %dma_wait3A_106 = arith.constant 0 : i32
      %dma_wait3A_107 = arith.constant 0 : i32
      %dma_wait3A_108 = tpu.memref_slice %arg4[%arg1, %dma_wait3A_106, %dma_wait3A_107] : memref<16x80x256xi32, #tpu.memory_space<hbm>> -> memref<1x80x256xi32, #tpu.memory_space<hbm>>
      %dma_wait3A_109 = tpu.memref_squeeze %dma_wait3A_108 : memref<1x80x256xi32, #tpu.memory_space<hbm>> -> memref<80x256xi32, #tpu.memory_space<hbm>>
      %dma_wait3A_110 = arith.constant 0 : i32
      %dma_wait3A_111 = arith.constant 0 : i32
      %dma_wait3A_112 = tpu.memref_slice %arg4[%arg1, %dma_wait3A_110, %dma_wait3A_111] : memref<16x80x256xi32, #tpu.memory_space<hbm>> -> memref<1x80x256xi32, #tpu.memory_space<hbm>>
      %dma_wait3A_113 = tpu.memref_squeeze %dma_wait3A_112 : memref<1x80x256xi32, #tpu.memory_space<hbm>> -> memref<80x256xi32, #tpu.memory_space<hbm>>
      tpu.wait_dma2 semaphore(%run_scoped3A : memref<!tpu.dma_semaphore, #tpu.memory_space<semaphore_mem>>) src(%dma_wait3A_113 : memref<80x256xi32, #tpu.memory_space<hbm>>) dst(%arg11 : memref<80x256xi32, #tpu.memory_space<vmem>>)
      tpu.yield
    }) : () -> ()
    %dma_start3A = arith.constant 0 : i32
    %dma_start3A_0 = arith.constant 0 : i32
    %dma_start3A_1 = arith.constant 0 : i32
    %dma_start3A_2 = arith.constant 0 : i32
    %dma_start3A_3 = tpu.memref_slice %arg12[%dma_start3A_0, %dma_start3A_1, %dma_start3A_2] : memref<4x256x64xbf16, #tpu.memory_space<vmem>> -> memref<1x256x64xbf16, #tpu.memory_space<vmem>>
    %dma_start3A_4 = tpu.memref_squeeze %dma_start3A_3 : memref<1x256x64xbf16, #tpu.memory_space<vmem>> -> memref<256x64xbf16, #tpu.memory_space<vmem>>
    %dma_start3A_5 = arith.constant 0 : i32
    %dma_start3A_6 = tpu.memref_slice %arg10[%dma_start3A, %dma_start3A_5] : memref<80x256xi32, #tpu.memory_space<vmem>> -> memref<1x256xi32, #tpu.memory_space<vmem>>
    %dma_start3A_7 = tpu.memref_squeeze %dma_start3A_6 : memref<1x256xi32, #tpu.memory_space<vmem>> -> memref<256xi32, #tpu.memory_space<vmem>>
    %dma_start3A_8 = arith.constant 0 : i32
    %dma_start3A_9 = arith.constant 0 : i32
    %dma_start3A_10 = tpu.memref_slice %arg2[%dma_start3A_8, %dma_start3A_9] : memref<20480x64xbf16, #tpu.memory_space<hbm>> -> memref<20480x64xbf16, #tpu.memory_space<hbm>>
    tpu.enqueue_indirect_dma source(%dma_start3A_10 : memref<20480x64xbf16, #tpu.memory_space<hbm>>) target(%dma_start3A_4 : memref<256x64xbf16, #tpu.memory_space<vmem>>) offsets(%dma_start3A_7 : memref<256xi32, #tpu.memory_space<vmem>>) semaphore(%arg16 : memref<!tpu.dma_semaphore, #tpu.memory_space<semaphore_mem>>)
    %dma_start3A_11 = arith.constant 1 : i32
    %dma_start3A_12 = arith.constant 1 : i32
    %dma_start3A_13 = arith.constant 0 : i32
    %dma_start3A_14 = arith.constant 0 : i32
    %dma_start3A_15 = tpu.memref_slice %arg12[%dma_start3A_12, %dma_start3A_13, %dma_start3A_14] : memref<4x256x64xbf16, #tpu.memory_space<vmem>> -> memref<1x256x64xbf16, #tpu.memory_space<vmem>>
    %dma_start3A_16 = tpu.memref_squeeze %dma_start3A_15 : memref<1x256x64xbf16, #tpu.memory_space<vmem>> -> memref<256x64xbf16, #tpu.memory_space<vmem>>
    %dma_start3A_17 = arith.constant 0 : i32
    %dma_start3A_18 = tpu.memref_slice %arg10[%dma_start3A_11, %dma_start3A_17] : memref<80x256xi32, #tpu.memory_space<vmem>> -> memref<1x256xi32, #tpu.memory_space<vmem>>
    %dma_start3A_19 = tpu.memref_squeeze %dma_start3A_18 : memref<1x256xi32, #tpu.memory_space<vmem>> -> memref<256xi32, #tpu.memory_space<vmem>>
    %dma_start3A_20 = arith.constant 0 : i32
    %dma_start3A_21 = arith.constant 0 : i32
    %dma_start3A_22 = tpu.memref_slice %arg2[%dma_start3A_20, %dma_start3A_21] : memref<20480x64xbf16, #tpu.memory_space<hbm>> -> memref<20480x64xbf16, #tpu.memory_space<hbm>>
    tpu.enqueue_indirect_dma source(%dma_start3A_22 : memref<20480x64xbf16, #tpu.memory_space<hbm>>) target(%dma_start3A_16 : memref<256x64xbf16, #tpu.memory_space<vmem>>) offsets(%dma_start3A_19 : memref<256xi32, #tpu.memory_space<vmem>>) semaphore(%arg17 : memref<!tpu.dma_semaphore, #tpu.memory_space<semaphore_mem>>)
    "tpu.region"() ({
      %run_scoped3A = tpu.sem_alloc : memref<!tpu.dma_semaphore, #tpu.memory_space<semaphore_mem>>
      tpu.enqueue_dma source(%arg7 : memref<256x16xf32, #tpu.memory_space<hbm>>) target(%arg13 : memref<256x16xf32, #tpu.memory_space<vmem>>) target_semaphore(%run_scoped3A : memref<!tpu.dma_semaphore, #tpu.memory_space<semaphore_mem>>)
      tpu.wait_dma2 semaphore(%run_scoped3A : memref<!tpu.dma_semaphore, #tpu.memory_space<semaphore_mem>>) src(%arg7 : memref<256x16xf32, #tpu.memory_space<hbm>>) dst(%arg13 : memref<256x16xf32, #tpu.memory_space<vmem>>)
      tpu.yield
    }) : () -> ()
    %mul3A = arith.constant 640 : i32
    %mul3A_23 = arith.muli %arg1, %mul3A : i32
    %mul3A_24 = arith.constant 640 : i32
    %mul3A_25 = arith.muli %arg1, %mul3A_24 : i32
    "tpu.region"() ({
      %run_scoped3A = tpu.sem_alloc : memref<!tpu.dma_semaphore, #tpu.memory_space<semaphore_mem>>
      %dma_start3A_98 = arith.constant 0 : i32
      %dma_start3A_99 = tpu.memref_slice %arg15[%mul3A_25, %dma_start3A_98] : memref<10240x16xf32, #tpu.memory_space<vmem_shared>> -> memref<640x16xf32, #tpu.memory_space<vmem_shared>>
      %dma_start3A_100 = arith.constant 0 : i32
      %dma_start3A_101 = tpu.memref_slice %arg6[%mul3A_23, %dma_start3A_100] : memref<10240x16xf32, #tpu.memory_space<hbm>> -> memref<640x16xf32, #tpu.memory_space<hbm>>
      tpu.enqueue_dma source(%dma_start3A_101 : memref<640x16xf32, #tpu.memory_space<hbm>>) target(%dma_start3A_99 : memref<640x16xf32, #tpu.memory_space<vmem_shared>>) target_semaphore(%run_scoped3A : memref<!tpu.dma_semaphore, #tpu.memory_space<semaphore_mem>>)
      %dma_wait3A_102 = arith.constant 0 : i32
      %dma_wait3A_103 = tpu.memref_slice %arg15[%mul3A_25, %dma_wait3A_102] : memref<10240x16xf32, #tpu.memory_space<vmem_shared>> -> memref<640x16xf32, #tpu.memory_space<vmem_shared>>
      %dma_wait3A_104 = arith.constant 0 : i32
      %dma_wait3A_105 = tpu.memref_slice %arg6[%mul3A_23, %dma_wait3A_104] : memref<10240x16xf32, #tpu.memory_space<hbm>> -> memref<640x16xf32, #tpu.memory_space<hbm>>
      tpu.wait_dma2 semaphore(%run_scoped3A : memref<!tpu.dma_semaphore, #tpu.memory_space<semaphore_mem>>) src(%dma_wait3A_105 : memref<640x16xf32, #tpu.memory_space<hbm>>) dst(%dma_wait3A_103 : memref<640x16xf32, #tpu.memory_space<vmem_shared>>)
      tpu.yield
    }) : () -> ()
    %mul3A_26 = arith.constant 640 : i32
    %mul3A_27 = arith.muli %arg1, %mul3A_26 : i32
    %mul3A_28 = arith.constant 640 : i32
    %mul3A_29 = arith.muli %arg1, %mul3A_28 : i32
    "tpu.region"() ({
      %run_scoped3A = tpu.sem_alloc : memref<!tpu.dma_semaphore, #tpu.memory_space<semaphore_mem>>
      %dma_start3A_98 = arith.constant 0 : i32
      %dma_start3A_99 = tpu.memref_slice %arg14[%mul3A_29, %dma_start3A_98] : memref<10240x64xbf16, #tpu.memory_space<vmem_shared>> -> memref<640x64xbf16, #tpu.memory_space<vmem_shared>>
      %dma_start3A_100 = arith.constant 0 : i32
      %dma_start3A_101 = tpu.memref_slice %arg5[%mul3A_27, %dma_start3A_100] : memref<10240x64xbf16, #tpu.memory_space<hbm>> -> memref<640x64xbf16, #tpu.memory_space<hbm>>
      tpu.enqueue_dma source(%dma_start3A_101 : memref<640x64xbf16, #tpu.memory_space<hbm>>) target(%dma_start3A_99 : memref<640x64xbf16, #tpu.memory_space<vmem_shared>>) target_semaphore(%run_scoped3A : memref<!tpu.dma_semaphore, #tpu.memory_space<semaphore_mem>>)
      %dma_wait3A_102 = arith.constant 0 : i32
      %dma_wait3A_103 = tpu.memref_slice %arg14[%mul3A_29, %dma_wait3A_102] : memref<10240x64xbf16, #tpu.memory_space<vmem_shared>> -> memref<640x64xbf16, #tpu.memory_space<vmem_shared>>
      %dma_wait3A_104 = arith.constant 0 : i32
      %dma_wait3A_105 = tpu.memref_slice %arg5[%mul3A_27, %dma_wait3A_104] : memref<10240x64xbf16, #tpu.memory_space<hbm>> -> memref<640x64xbf16, #tpu.memory_space<hbm>>
      tpu.wait_dma2 semaphore(%run_scoped3A : memref<!tpu.dma_semaphore, #tpu.memory_space<semaphore_mem>>) src(%dma_wait3A_105 : memref<640x64xbf16, #tpu.memory_space<hbm>>) dst(%dma_wait3A_103 : memref<640x64xbf16, #tpu.memory_space<vmem_shared>>)
      tpu.yield
    }) : () -> ()
    %barrier3A = arith.constant 0 : index
    tpu.barrier barrier_id(%barrier3A)
    %scan3A = arith.constant 0 : i32
    %scan3A_30 = arith.constant 0 : i32
    %scan3A_31 = arith.constant 20 : i32
    %scan3A_32 = arith.addi %scan3A_30, %scan3A_31 : i32
    %scan3A_33 = arith.constant 1 : i32
    scf.for %scan3A_98 = %scan3A_30 to %scan3A_32 step %scan3A_33  : i32 {
      %mul3A_99 = arith.constant 4 : i32
      %mul3A_100 = arith.muli %scan3A_98, %mul3A_99 : i32
      %add3A = arith.constant 0 : i32
      %add3A_101 = arith.addi %mul3A_100, %add3A : i32
      %dma_wait3A_102 = arith.constant 0 : i32
      %dma_wait3A_103 = arith.constant 0 : i32
      %dma_wait3A_104 = arith.constant 0 : i32
      %dma_wait3A_105 = tpu.memref_slice %arg12[%dma_wait3A_102, %dma_wait3A_103, %dma_wait3A_104] : memref<4x256x64xbf16, #tpu.memory_space<vmem>> -> memref<1x256x64xbf16, #tpu.memory_space<vmem>>
      %dma_wait3A_106 = tpu.memref_squeeze %dma_wait3A_105 : memref<1x256x64xbf16, #tpu.memory_space<vmem>> -> memref<256x64xbf16, #tpu.memory_space<vmem>>
      %dma_wait3A_107 = arith.constant 0 : i32
      %dma_wait3A_108 = tpu.memref_slice %arg10[%add3A_101, %dma_wait3A_107] : memref<80x256xi32, #tpu.memory_space<vmem>> -> memref<1x256xi32, #tpu.memory_space<vmem>>
      %dma_wait3A_109 = tpu.memref_squeeze %dma_wait3A_108 : memref<1x256xi32, #tpu.memory_space<vmem>> -> memref<256xi32, #tpu.memory_space<vmem>>
      %dma_wait3A_110 = arith.constant 0 : i32
      %dma_wait3A_111 = arith.constant 0 : i32
      %dma_wait3A_112 = tpu.memref_slice %arg2[%dma_wait3A_110, %dma_wait3A_111] : memref<20480x64xbf16, #tpu.memory_space<hbm>> -> memref<20480x64xbf16, #tpu.memory_space<hbm>>
      tpu.wait_indirect_dma semaphore(%arg16 : memref<!tpu.dma_semaphore, #tpu.memory_space<semaphore_mem>>) src(%dma_wait3A_112 : memref<20480x64xbf16, #tpu.memory_space<hbm>>) dst(%dma_wait3A_106 : memref<256x64xbf16, #tpu.memory_space<vmem>>)
      %dma_start3A_113 = arith.constant 0 : i32
      %dma_start3A_114 = arith.constant 0 : i32
      %dma_start3A_115 = arith.constant 0 : i32
      %dma_start3A_116 = tpu.memref_slice %arg12[%dma_start3A_113, %dma_start3A_114, %dma_start3A_115] : memref<4x256x64xbf16, #tpu.memory_space<vmem>> -> memref<1x256x64xbf16, #tpu.memory_space<vmem>>
      %dma_start3A_117 = tpu.memref_squeeze %dma_start3A_116 : memref<1x256x64xbf16, #tpu.memory_space<vmem>> -> memref<256x64xbf16, #tpu.memory_space<vmem>>
      %dma_start3A_118 = arith.constant 0 : i32
      %dma_start3A_119 = tpu.memref_slice %arg11[%add3A_101, %dma_start3A_118] : memref<80x256xi32, #tpu.memory_space<vmem>> -> memref<1x256xi32, #tpu.memory_space<vmem>>
      %dma_start3A_120 = tpu.memref_squeeze %dma_start3A_119 : memref<1x256xi32, #tpu.memory_space<vmem>> -> memref<256xi32, #tpu.memory_space<vmem>>
      %dma_start3A_121 = arith.constant 0 : i32
      %dma_start3A_122 = arith.constant 0 : i32
      %dma_start3A_123 = tpu.memref_slice %arg14[%dma_start3A_121, %dma_start3A_122] : memref<10240x64xbf16, #tpu.memory_space<vmem_shared>> -> memref<10240x64xbf16, #tpu.memory_space<vmem_shared>>
      tpu.enqueue_indirect_dma source(%dma_start3A_117 : memref<256x64xbf16, #tpu.memory_space<vmem>>) target(%dma_start3A_123 : memref<10240x64xbf16, #tpu.memory_space<vmem_shared>>) offsets(%dma_start3A_120 : memref<256xi32, #tpu.memory_space<vmem>>) semaphore(%arg20 : memref<!tpu.dma_semaphore, #tpu.memory_space<semaphore_mem>>) {add = true}
      %eq3A = arith.constant 0 : i32
      %eq3A_124 = arith.cmpi eq, %arg0, %eq3A : i32
      %convert_element_type3A = arith.extui %eq3A_124 : i1 to i32
      %cond3A = arith.constant 0 : i32
      %cond3A_125 = arith.cmpi ne, %convert_element_type3A, %cond3A : i32
      scf.if %cond3A_125 {
        %ge3A = arith.constant 2 : i32
        %ge3A_240 = arith.cmpi sge, %add3A_101, %ge3A : i32
        %convert_element_type3A_241 = arith.extui %ge3A_240 : i1 to i32
        %cond3A_242 = arith.constant 0 : i32
        %cond3A_243 = arith.cmpi ne, %convert_element_type3A_241, %cond3A_242 : i32
        scf.if %cond3A_243 {
          %dma_wait3A_250 = arith.constant 0 : i32
          %dma_wait3A_251 = tpu.memref_slice %arg11[%add3A_101, %dma_wait3A_250] : memref<80x256xi32, #tpu.memory_space<vmem>> -> memref<1x256xi32, #tpu.memory_space<vmem>>
          %dma_wait3A_252 = tpu.memref_squeeze %dma_wait3A_251 : memref<1x256xi32, #tpu.memory_space<vmem>> -> memref<256xi32, #tpu.memory_space<vmem>>
          %dma_wait3A_253 = arith.constant 0 : i32
          %dma_wait3A_254 = arith.constant 0 : i32
          %dma_wait3A_255 = tpu.memref_slice %arg15[%dma_wait3A_253, %dma_wait3A_254] : memref<10240x16xf32, #tpu.memory_space<vmem_shared>> -> memref<10240x16xf32, #tpu.memory_space<vmem_shared>>
          tpu.wait_indirect_dma semaphore(%arg24 : memref<!tpu.dma_semaphore, #tpu.memory_space<semaphore_mem>>) src(%arg13 : memref<256x16xf32, #tpu.memory_space<vmem>>) dst(%dma_wait3A_255 : memref<10240x16xf32, #tpu.memory_space<vmem_shared>>)
        } else {
        }
        %dma_start3A_244 = arith.constant 0 : i32
        %dma_start3A_245 = tpu.memref_slice %arg11[%add3A_101, %dma_start3A_244] : memref<80x256xi32, #tpu.memory_space<vmem>> -> memref<1x256xi32, #tpu.memory_space<vmem>>
        %dma_start3A_246 = tpu.memref_squeeze %dma_start3A_245 : memref<1x256xi32, #tpu.memory_space<vmem>> -> memref<256xi32, #tpu.memory_space<vmem>>
        %dma_start3A_247 = arith.constant 0 : i32
        %dma_start3A_248 = arith.constant 0 : i32
        %dma_start3A_249 = tpu.memref_slice %arg15[%dma_start3A_247, %dma_start3A_248] : memref<10240x16xf32, #tpu.memory_space<vmem_shared>> -> memref<10240x16xf32, #tpu.memory_space<vmem_shared>>
        tpu.enqueue_indirect_dma source(%arg13 : memref<256x16xf32, #tpu.memory_space<vmem>>) target(%dma_start3A_249 : memref<10240x16xf32, #tpu.memory_space<vmem_shared>>) offsets(%dma_start3A_246 : memref<256xi32, #tpu.memory_space<vmem>>) semaphore(%arg24 : memref<!tpu.dma_semaphore, #tpu.memory_space<semaphore_mem>>) {add = true}
      } else {
      }
      %add3A_126 = arith.constant 2 : i32
      %add3A_127 = arith.addi %add3A_101, %add3A_126 : i32
      %lt3A = arith.constant 80 : i32
      %lt3A_128 = arith.cmpi slt, %add3A_127, %lt3A : i32
      %convert_element_type3A_129 = arith.extui %lt3A_128 : i1 to i32
      %cond3A_130 = arith.constant 0 : i32
      %cond3A_131 = arith.cmpi ne, %convert_element_type3A_129, %cond3A_130 : i32
      scf.if %cond3A_131 {
        %ge3A = arith.constant 2 : i32
        %ge3A_240 = arith.cmpi sge, %add3A_101, %ge3A : i32
        %convert_element_type3A_241 = arith.extui %ge3A_240 : i1 to i32
        %cond3A_242 = arith.constant 0 : i32
        %cond3A_243 = arith.cmpi ne, %convert_element_type3A_241, %cond3A_242 : i32
        scf.if %cond3A_243 {
          %dma_wait3A_257 = arith.constant 2 : i32
          %dma_wait3A_258 = arith.constant 0 : i32
          %dma_wait3A_259 = arith.constant 0 : i32
          %dma_wait3A_260 = tpu.memref_slice %arg12[%dma_wait3A_257, %dma_wait3A_258, %dma_wait3A_259] : memref<4x256x64xbf16, #tpu.memory_space<vmem>> -> memref<1x256x64xbf16, #tpu.memory_space<vmem>>
          %dma_wait3A_261 = tpu.memref_squeeze %dma_wait3A_260 : memref<1x256x64xbf16, #tpu.memory_space<vmem>> -> memref<256x64xbf16, #tpu.memory_space<vmem>>
          %dma_wait3A_262 = arith.constant 0 : i32
          %dma_wait3A_263 = tpu.memref_slice %arg11[%add3A_101, %dma_wait3A_262] : memref<80x256xi32, #tpu.memory_space<vmem>> -> memref<1x256xi32, #tpu.memory_space<vmem>>
          %dma_wait3A_264 = tpu.memref_squeeze %dma_wait3A_263 : memref<1x256xi32, #tpu.memory_space<vmem>> -> memref<256xi32, #tpu.memory_space<vmem>>
          %dma_wait3A_265 = arith.constant 0 : i32
          %dma_wait3A_266 = arith.constant 0 : i32
          %dma_wait3A_267 = tpu.memref_slice %arg14[%dma_wait3A_265, %dma_wait3A_266] : memref<10240x64xbf16, #tpu.memory_space<vmem_shared>> -> memref<10240x64xbf16, #tpu.memory_space<vmem_shared>>
          tpu.wait_indirect_dma semaphore(%arg22 : memref<!tpu.dma_semaphore, #tpu.memory_space<semaphore_mem>>) src(%dma_wait3A_261 : memref<256x64xbf16, #tpu.memory_space<vmem>>) dst(%dma_wait3A_267 : memref<10240x64xbf16, #tpu.memory_space<vmem_shared>>)
        } else {
        }
        %add3A_244 = arith.constant 2 : i32
        %add3A_245 = arith.addi %add3A_101, %add3A_244 : i32
        %dma_start3A_246 = arith.constant 2 : i32
        %dma_start3A_247 = arith.constant 0 : i32
        %dma_start3A_248 = arith.constant 0 : i32
        %dma_start3A_249 = tpu.memref_slice %arg12[%dma_start3A_246, %dma_start3A_247, %dma_start3A_248] : memref<4x256x64xbf16, #tpu.memory_space<vmem>> -> memref<1x256x64xbf16, #tpu.memory_space<vmem>>
        %dma_start3A_250 = tpu.memref_squeeze %dma_start3A_249 : memref<1x256x64xbf16, #tpu.memory_space<vmem>> -> memref<256x64xbf16, #tpu.memory_space<vmem>>
        %dma_start3A_251 = arith.constant 0 : i32
        %dma_start3A_252 = tpu.memref_slice %arg10[%add3A_245, %dma_start3A_251] : memref<80x256xi32, #tpu.memory_space<vmem>> -> memref<1x256xi32, #tpu.memory_space<vmem>>
        %dma_start3A_253 = tpu.memref_squeeze %dma_start3A_252 : memref<1x256xi32, #tpu.memory_space<vmem>> -> memref<256xi32, #tpu.memory_space<vmem>>
        %dma_start3A_254 = arith.constant 0 : i32
        %dma_start3A_255 = arith.constant 0 : i32
        %dma_start3A_256 = tpu.memref_slice %arg2[%dma_start3A_254, %dma_start3A_255] : memref<20480x64xbf16, #tpu.memory_space<hbm>> -> memref<20480x64xbf16, #tpu.memory_space<hbm>>
        tpu.enqueue_indirect_dma source(%dma_start3A_256 : memref<20480x64xbf16, #tpu.memory_space<hbm>>) target(%dma_start3A_250 : memref<256x64xbf16, #tpu.memory_space<vmem>>) offsets(%dma_start3A_253 : memref<256xi32, #tpu.memory_space<vmem>>) semaphore(%arg18 : memref<!tpu.dma_semaphore, #tpu.memory_space<semaphore_mem>>)
      } else {
      }
      %add3A_132 = arith.constant 1 : i32
      %add3A_133 = arith.addi %mul3A_100, %add3A_132 : i32
      %dma_wait3A_134 = arith.constant 1 : i32
      %dma_wait3A_135 = arith.constant 0 : i32
      %dma_wait3A_136 = arith.constant 0 : i32
      %dma_wait3A_137 = tpu.memref_slice %arg12[%dma_wait3A_134, %dma_wait3A_135, %dma_wait3A_136] : memref<4x256x64xbf16, #tpu.memory_space<vmem>> -> memref<1x256x64xbf16, #tpu.memory_space<vmem>>
      %dma_wait3A_138 = tpu.memref_squeeze %dma_wait3A_137 : memref<1x256x64xbf16, #tpu.memory_space<vmem>> -> memref<256x64xbf16, #tpu.memory_space<vmem>>
      %dma_wait3A_139 = arith.constant 0 : i32
      %dma_wait3A_140 = tpu.memref_slice %arg10[%add3A_133, %dma_wait3A_139] : memref<80x256xi32, #tpu.memory_space<vmem>> -> memref<1x256xi32, #tpu.memory_space<vmem>>
      %dma_wait3A_141 = tpu.memref_squeeze %dma_wait3A_140 : memref<1x256xi32, #tpu.memory_space<vmem>> -> memref<256xi32, #tpu.memory_space<vmem>>
      %dma_wait3A_142 = arith.constant 0 : i32
      %dma_wait3A_143 = arith.constant 0 : i32
      %dma_wait3A_144 = tpu.memref_slice %arg2[%dma_wait3A_142, %dma_wait3A_143] : memref<20480x64xbf16, #tpu.memory_space<hbm>> -> memref<20480x64xbf16, #tpu.memory_space<hbm>>
      tpu.wait_indirect_dma semaphore(%arg17 : memref<!tpu.dma_semaphore, #tpu.memory_space<semaphore_mem>>) src(%dma_wait3A_144 : memref<20480x64xbf16, #tpu.memory_space<hbm>>) dst(%dma_wait3A_138 : memref<256x64xbf16, #tpu.memory_space<vmem>>)
      %dma_start3A_145 = arith.constant 1 : i32
      %dma_start3A_146 = arith.constant 0 : i32
      %dma_start3A_147 = arith.constant 0 : i32
      %dma_start3A_148 = tpu.memref_slice %arg12[%dma_start3A_145, %dma_start3A_146, %dma_start3A_147] : memref<4x256x64xbf16, #tpu.memory_space<vmem>> -> memref<1x256x64xbf16, #tpu.memory_space<vmem>>
      %dma_start3A_149 = tpu.memref_squeeze %dma_start3A_148 : memref<1x256x64xbf16, #tpu.memory_space<vmem>> -> memref<256x64xbf16, #tpu.memory_space<vmem>>
      %dma_start3A_150 = arith.constant 0 : i32
      %dma_start3A_151 = tpu.memref_slice %arg11[%add3A_133, %dma_start3A_150] : memref<80x256xi32, #tpu.memory_space<vmem>> -> memref<1x256xi32, #tpu.memory_space<vmem>>
      %dma_start3A_152 = tpu.memref_squeeze %dma_start3A_151 : memref<1x256xi32, #tpu.memory_space<vmem>> -> memref<256xi32, #tpu.memory_space<vmem>>
      %dma_start3A_153 = arith.constant 0 : i32
      %dma_start3A_154 = arith.constant 0 : i32
      %dma_start3A_155 = tpu.memref_slice %arg14[%dma_start3A_153, %dma_start3A_154] : memref<10240x64xbf16, #tpu.memory_space<vmem_shared>> -> memref<10240x64xbf16, #tpu.memory_space<vmem_shared>>
      tpu.enqueue_indirect_dma source(%dma_start3A_149 : memref<256x64xbf16, #tpu.memory_space<vmem>>) target(%dma_start3A_155 : memref<10240x64xbf16, #tpu.memory_space<vmem_shared>>) offsets(%dma_start3A_152 : memref<256xi32, #tpu.memory_space<vmem>>) semaphore(%arg21 : memref<!tpu.dma_semaphore, #tpu.memory_space<semaphore_mem>>) {add = true}
      %eq3A_156 = arith.constant 1 : i32
      %eq3A_157 = arith.cmpi eq, %arg0, %eq3A_156 : i32
      %convert_element_type3A_158 = arith.extui %eq3A_157 : i1 to i32
      %cond3A_159 = arith.constant 0 : i32
      %cond3A_160 = arith.cmpi ne, %convert_element_type3A_158, %cond3A_159 : i32
      scf.if %cond3A_160 {
        %ge3A = arith.constant 3 : i32
        %ge3A_240 = arith.cmpi sge, %add3A_133, %ge3A : i32
        %convert_element_type3A_241 = arith.extui %ge3A_240 : i1 to i32
        %cond3A_242 = arith.constant 0 : i32
        %cond3A_243 = arith.cmpi ne, %convert_element_type3A_241, %cond3A_242 : i32
        scf.if %cond3A_243 {
          %dma_wait3A_250 = arith.constant 0 : i32
          %dma_wait3A_251 = tpu.memref_slice %arg11[%add3A_133, %dma_wait3A_250] : memref<80x256xi32, #tpu.memory_space<vmem>> -> memref<1x256xi32, #tpu.memory_space<vmem>>
          %dma_wait3A_252 = tpu.memref_squeeze %dma_wait3A_251 : memref<1x256xi32, #tpu.memory_space<vmem>> -> memref<256xi32, #tpu.memory_space<vmem>>
          %dma_wait3A_253 = arith.constant 0 : i32
          %dma_wait3A_254 = arith.constant 0 : i32
          %dma_wait3A_255 = tpu.memref_slice %arg15[%dma_wait3A_253, %dma_wait3A_254] : memref<10240x16xf32, #tpu.memory_space<vmem_shared>> -> memref<10240x16xf32, #tpu.memory_space<vmem_shared>>
          tpu.wait_indirect_dma semaphore(%arg24 : memref<!tpu.dma_semaphore, #tpu.memory_space<semaphore_mem>>) src(%arg13 : memref<256x16xf32, #tpu.memory_space<vmem>>) dst(%dma_wait3A_255 : memref<10240x16xf32, #tpu.memory_space<vmem_shared>>)
        } else {
        }
        %dma_start3A_244 = arith.constant 0 : i32
        %dma_start3A_245 = tpu.memref_slice %arg11[%add3A_133, %dma_start3A_244] : memref<80x256xi32, #tpu.memory_space<vmem>> -> memref<1x256xi32, #tpu.memory_space<vmem>>
        %dma_start3A_246 = tpu.memref_squeeze %dma_start3A_245 : memref<1x256xi32, #tpu.memory_space<vmem>> -> memref<256xi32, #tpu.memory_space<vmem>>
        %dma_start3A_247 = arith.constant 0 : i32
        %dma_start3A_248 = arith.constant 0 : i32
        %dma_start3A_249 = tpu.memref_slice %arg15[%dma_start3A_247, %dma_start3A_248] : memref<10240x16xf32, #tpu.memory_space<vmem_shared>> -> memref<10240x16xf32, #tpu.memory_space<vmem_shared>>
        tpu.enqueue_indirect_dma source(%arg13 : memref<256x16xf32, #tpu.memory_space<vmem>>) target(%dma_start3A_249 : memref<10240x16xf32, #tpu.memory_space<vmem_shared>>) offsets(%dma_start3A_246 : memref<256xi32, #tpu.memory_space<vmem>>) semaphore(%arg24 : memref<!tpu.dma_semaphore, #tpu.memory_space<semaphore_mem>>) {add = true}
      } else {
      }
      %add3A_161 = arith.constant 2 : i32
      %add3A_162 = arith.addi %add3A_133, %add3A_161 : i32
      %lt3A_163 = arith.constant 80 : i32
      %lt3A_164 = arith.cmpi slt, %add3A_162, %lt3A_163 : i32
      %convert_element_type3A_165 = arith.extui %lt3A_164 : i1 to i32
      %cond3A_166 = arith.constant 0 : i32
      %cond3A_167 = arith.cmpi ne, %convert_element_type3A_165, %cond3A_166 : i32
      scf.if %cond3A_167 {
        %ge3A = arith.constant 2 : i32
        %ge3A_240 = arith.cmpi sge, %add3A_133, %ge3A : i32
        %convert_element_type3A_241 = arith.extui %ge3A_240 : i1 to i32
        %cond3A_242 = arith.constant 0 : i32
        %cond3A_243 = arith.cmpi ne, %convert_element_type3A_241, %cond3A_242 : i32
        scf.if %cond3A_243 {
          %dma_wait3A_257 = arith.constant 3 : i32
          %dma_wait3A_258 = arith.constant 0 : i32
          %dma_wait3A_259 = arith.constant 0 : i32
          %dma_wait3A_260 = tpu.memref_slice %arg12[%dma_wait3A_257, %dma_wait3A_258, %dma_wait3A_259] : memref<4x256x64xbf16, #tpu.memory_space<vmem>> -> memref<1x256x64xbf16, #tpu.memory_space<vmem>>
          %dma_wait3A_261 = tpu.memref_squeeze %dma_wait3A_260 : memref<1x256x64xbf16, #tpu.memory_space<vmem>> -> memref<256x64xbf16, #tpu.memory_space<vmem>>
          %dma_wait3A_262 = arith.constant 0 : i32
          %dma_wait3A_263 = tpu.memref_slice %arg11[%add3A_133, %dma_wait3A_262] : memref<80x256xi32, #tpu.memory_space<vmem>> -> memref<1x256xi32, #tpu.memory_space<vmem>>
          %dma_wait3A_264 = tpu.memref_squeeze %dma_wait3A_263 : memref<1x256xi32, #tpu.memory_space<vmem>> -> memref<256xi32, #tpu.memory_space<vmem>>
          %dma_wait3A_265 = arith.constant 0 : i32
          %dma_wait3A_266 = arith.constant 0 : i32
          %dma_wait3A_267 = tpu.memref_slice %arg14[%dma_wait3A_265, %dma_wait3A_266] : memref<10240x64xbf16, #tpu.memory_space<vmem_shared>> -> memref<10240x64xbf16, #tpu.memory_space<vmem_shared>>
          tpu.wait_indirect_dma semaphore(%arg23 : memref<!tpu.dma_semaphore, #tpu.memory_space<semaphore_mem>>) src(%dma_wait3A_261 : memref<256x64xbf16, #tpu.memory_space<vmem>>) dst(%dma_wait3A_267 : memref<10240x64xbf16, #tpu.memory_space<vmem_shared>>)
        } else {
        }
        %add3A_244 = arith.constant 2 : i32
        %add3A_245 = arith.addi %add3A_133, %add3A_244 : i32
        %dma_start3A_246 = arith.constant 3 : i32
        %dma_start3A_247 = arith.constant 0 : i32
        %dma_start3A_248 = arith.constant 0 : i32
        %dma_start3A_249 = tpu.memref_slice %arg12[%dma_start3A_246, %dma_start3A_247, %dma_start3A_248] : memref<4x256x64xbf16, #tpu.memory_space<vmem>> -> memref<1x256x64xbf16, #tpu.memory_space<vmem>>
        %dma_start3A_250 = tpu.memref_squeeze %dma_start3A_249 : memref<1x256x64xbf16, #tpu.memory_space<vmem>> -> memref<256x64xbf16, #tpu.memory_space<vmem>>
        %dma_start3A_251 = arith.constant 0 : i32
        %dma_start3A_252 = tpu.memref_slice %arg10[%add3A_245, %dma_start3A_251] : memref<80x256xi32, #tpu.memory_space<vmem>> -> memref<1x256xi32, #tpu.memory_space<vmem>>
        %dma_start3A_253 = tpu.memref_squeeze %dma_start3A_252 : memref<1x256xi32, #tpu.memory_space<vmem>> -> memref<256xi32, #tpu.memory_space<vmem>>
        %dma_start3A_254 = arith.constant 0 : i32
        %dma_start3A_255 = arith.constant 0 : i32
        %dma_start3A_256 = tpu.memref_slice %arg2[%dma_start3A_254, %dma_start3A_255] : memref<20480x64xbf16, #tpu.memory_space<hbm>> -> memref<20480x64xbf16, #tpu.memory_space<hbm>>
        tpu.enqueue_indirect_dma source(%dma_start3A_256 : memref<20480x64xbf16, #tpu.memory_space<hbm>>) target(%dma_start3A_250 : memref<256x64xbf16, #tpu.memory_space<vmem>>) offsets(%dma_start3A_253 : memref<256xi32, #tpu.memory_space<vmem>>) semaphore(%arg19 : memref<!tpu.dma_semaphore, #tpu.memory_space<semaphore_mem>>)
      } else {
      }
      %add3A_168 = arith.constant 2 : i32
      %add3A_169 = arith.addi %mul3A_100, %add3A_168 : i32
      %dma_wait3A_170 = arith.constant 2 : i32
      %dma_wait3A_171 = arith.constant 0 : i32
      %dma_wait3A_172 = arith.constant 0 : i32
      %dma_wait3A_173 = tpu.memref_slice %arg12[%dma_wait3A_170, %dma_wait3A_171, %dma_wait3A_172] : memref<4x256x64xbf16, #tpu.memory_space<vmem>> -> memref<1x256x64xbf16, #tpu.memory_space<vmem>>
      %dma_wait3A_174 = tpu.memref_squeeze %dma_wait3A_173 : memref<1x256x64xbf16, #tpu.memory_space<vmem>> -> memref<256x64xbf16, #tpu.memory_space<vmem>>
      %dma_wait3A_175 = arith.constant 0 : i32
      %dma_wait3A_176 = tpu.memref_slice %arg10[%add3A_169, %dma_wait3A_175] : memref<80x256xi32, #tpu.memory_space<vmem>> -> memref<1x256xi32, #tpu.memory_space<vmem>>
      %dma_wait3A_177 = tpu.memref_squeeze %dma_wait3A_176 : memref<1x256xi32, #tpu.memory_space<vmem>> -> memref<256xi32, #tpu.memory_space<vmem>>
      %dma_wait3A_178 = arith.constant 0 : i32
      %dma_wait3A_179 = arith.constant 0 : i32
      %dma_wait3A_180 = tpu.memref_slice %arg2[%dma_wait3A_178, %dma_wait3A_179] : memref<20480x64xbf16, #tpu.memory_space<hbm>> -> memref<20480x64xbf16, #tpu.memory_space<hbm>>
      tpu.wait_indirect_dma semaphore(%arg18 : memref<!tpu.dma_semaphore, #tpu.memory_space<semaphore_mem>>) src(%dma_wait3A_180 : memref<20480x64xbf16, #tpu.memory_space<hbm>>) dst(%dma_wait3A_174 : memref<256x64xbf16, #tpu.memory_space<vmem>>)
      %dma_start3A_181 = arith.constant 2 : i32
      %dma_start3A_182 = arith.constant 0 : i32
      %dma_start3A_183 = arith.constant 0 : i32
      %dma_start3A_184 = tpu.memref_slice %arg12[%dma_start3A_181, %dma_start3A_182, %dma_start3A_183] : memref<4x256x64xbf16, #tpu.memory_space<vmem>> -> memref<1x256x64xbf16, #tpu.memory_space<vmem>>
      %dma_start3A_185 = tpu.memref_squeeze %dma_start3A_184 : memref<1x256x64xbf16, #tpu.memory_space<vmem>> -> memref<256x64xbf16, #tpu.memory_space<vmem>>
      %dma_start3A_186 = arith.constant 0 : i32
      %dma_start3A_187 = tpu.memref_slice %arg11[%add3A_169, %dma_start3A_186] : memref<80x256xi32, #tpu.memory_space<vmem>> -> memref<1x256xi32, #tpu.memory_space<vmem>>
      %dma_start3A_188 = tpu.memref_squeeze %dma_start3A_187 : memref<1x256xi32, #tpu.memory_space<vmem>> -> memref<256xi32, #tpu.memory_space<vmem>>
      %dma_start3A_189 = arith.constant 0 : i32
      %dma_start3A_190 = arith.constant 0 : i32
      %dma_start3A_191 = tpu.memref_slice %arg14[%dma_start3A_189, %dma_start3A_190] : memref<10240x64xbf16, #tpu.memory_space<vmem_shared>> -> memref<10240x64xbf16, #tpu.memory_space<vmem_shared>>
      tpu.enqueue_indirect_dma source(%dma_start3A_185 : memref<256x64xbf16, #tpu.memory_space<vmem>>) target(%dma_start3A_191 : memref<10240x64xbf16, #tpu.memory_space<vmem_shared>>) offsets(%dma_start3A_188 : memref<256xi32, #tpu.memory_space<vmem>>) semaphore(%arg22 : memref<!tpu.dma_semaphore, #tpu.memory_space<semaphore_mem>>) {add = true}
      %eq3A_192 = arith.constant 0 : i32
      %eq3A_193 = arith.cmpi eq, %arg0, %eq3A_192 : i32
      %convert_element_type3A_194 = arith.extui %eq3A_193 : i1 to i32
      %cond3A_195 = arith.constant 0 : i32
      %cond3A_196 = arith.cmpi ne, %convert_element_type3A_194, %cond3A_195 : i32
      scf.if %cond3A_196 {
        %ge3A = arith.constant 2 : i32
        %ge3A_240 = arith.cmpi sge, %add3A_169, %ge3A : i32
        %convert_element_type3A_241 = arith.extui %ge3A_240 : i1 to i32
        %cond3A_242 = arith.constant 0 : i32
        %cond3A_243 = arith.cmpi ne, %convert_element_type3A_241, %cond3A_242 : i32
        scf.if %cond3A_243 {
          %dma_wait3A_250 = arith.constant 0 : i32
          %dma_wait3A_251 = tpu.memref_slice %arg11[%add3A_169, %dma_wait3A_250] : memref<80x256xi32, #tpu.memory_space<vmem>> -> memref<1x256xi32, #tpu.memory_space<vmem>>
          %dma_wait3A_252 = tpu.memref_squeeze %dma_wait3A_251 : memref<1x256xi32, #tpu.memory_space<vmem>> -> memref<256xi32, #tpu.memory_space<vmem>>
          %dma_wait3A_253 = arith.constant 0 : i32
          %dma_wait3A_254 = arith.constant 0 : i32
          %dma_wait3A_255 = tpu.memref_slice %arg15[%dma_wait3A_253, %dma_wait3A_254] : memref<10240x16xf32, #tpu.memory_space<vmem_shared>> -> memref<10240x16xf32, #tpu.memory_space<vmem_shared>>
          tpu.wait_indirect_dma semaphore(%arg24 : memref<!tpu.dma_semaphore, #tpu.memory_space<semaphore_mem>>) src(%arg13 : memref<256x16xf32, #tpu.memory_space<vmem>>) dst(%dma_wait3A_255 : memref<10240x16xf32, #tpu.memory_space<vmem_shared>>)
        } else {
        }
        %dma_start3A_244 = arith.constant 0 : i32
        %dma_start3A_245 = tpu.memref_slice %arg11[%add3A_169, %dma_start3A_244] : memref<80x256xi32, #tpu.memory_space<vmem>> -> memref<1x256xi32, #tpu.memory_space<vmem>>
        %dma_start3A_246 = tpu.memref_squeeze %dma_start3A_245 : memref<1x256xi32, #tpu.memory_space<vmem>> -> memref<256xi32, #tpu.memory_space<vmem>>
        %dma_start3A_247 = arith.constant 0 : i32
        %dma_start3A_248 = arith.constant 0 : i32
        %dma_start3A_249 = tpu.memref_slice %arg15[%dma_start3A_247, %dma_start3A_248] : memref<10240x16xf32, #tpu.memory_space<vmem_shared>> -> memref<10240x16xf32, #tpu.memory_space<vmem_shared>>
        tpu.enqueue_indirect_dma source(%arg13 : memref<256x16xf32, #tpu.memory_space<vmem>>) target(%dma_start3A_249 : memref<10240x16xf32, #tpu.memory_space<vmem_shared>>) offsets(%dma_start3A_246 : memref<256xi32, #tpu.memory_space<vmem>>) semaphore(%arg24 : memref<!tpu.dma_semaphore, #tpu.memory_space<semaphore_mem>>) {add = true}
      } else {
      }
      %add3A_197 = arith.constant 2 : i32
      %add3A_198 = arith.addi %add3A_169, %add3A_197 : i32
      %lt3A_199 = arith.constant 80 : i32
      %lt3A_200 = arith.cmpi slt, %add3A_198, %lt3A_199 : i32
      %convert_element_type3A_201 = arith.extui %lt3A_200 : i1 to i32
      %cond3A_202 = arith.constant 0 : i32
      %cond3A_203 = arith.cmpi ne, %convert_element_type3A_201, %cond3A_202 : i32
      scf.if %cond3A_203 {
        %ge3A = arith.constant 2 : i32
        %ge3A_240 = arith.cmpi sge, %add3A_169, %ge3A : i32
        %convert_element_type3A_241 = arith.extui %ge3A_240 : i1 to i32
        %cond3A_242 = arith.constant 0 : i32
        %cond3A_243 = arith.cmpi ne, %convert_element_type3A_241, %cond3A_242 : i32
        scf.if %cond3A_243 {
          %dma_wait3A_257 = arith.constant 0 : i32
          %dma_wait3A_258 = arith.constant 0 : i32
          %dma_wait3A_259 = arith.constant 0 : i32
          %dma_wait3A_260 = tpu.memref_slice %arg12[%dma_wait3A_257, %dma_wait3A_258, %dma_wait3A_259] : memref<4x256x64xbf16, #tpu.memory_space<vmem>> -> memref<1x256x64xbf16, #tpu.memory_space<vmem>>
          %dma_wait3A_261 = tpu.memref_squeeze %dma_wait3A_260 : memref<1x256x64xbf16, #tpu.memory_space<vmem>> -> memref<256x64xbf16, #tpu.memory_space<vmem>>
          %dma_wait3A_262 = arith.constant 0 : i32
          %dma_wait3A_263 = tpu.memref_slice %arg11[%add3A_169, %dma_wait3A_262] : memref<80x256xi32, #tpu.memory_space<vmem>> -> memref<1x256xi32, #tpu.memory_space<vmem>>
          %dma_wait3A_264 = tpu.memref_squeeze %dma_wait3A_263 : memref<1x256xi32, #tpu.memory_space<vmem>> -> memref<256xi32, #tpu.memory_space<vmem>>
          %dma_wait3A_265 = arith.constant 0 : i32
          %dma_wait3A_266 = arith.constant 0 : i32
          %dma_wait3A_267 = tpu.memref_slice %arg14[%dma_wait3A_265, %dma_wait3A_266] : memref<10240x64xbf16, #tpu.memory_space<vmem_shared>> -> memref<10240x64xbf16, #tpu.memory_space<vmem_shared>>
          tpu.wait_indirect_dma semaphore(%arg20 : memref<!tpu.dma_semaphore, #tpu.memory_space<semaphore_mem>>) src(%dma_wait3A_261 : memref<256x64xbf16, #tpu.memory_space<vmem>>) dst(%dma_wait3A_267 : memref<10240x64xbf16, #tpu.memory_space<vmem_shared>>)
        } else {
        }
        %add3A_244 = arith.constant 2 : i32
        %add3A_245 = arith.addi %add3A_169, %add3A_244 : i32
        %dma_start3A_246 = arith.constant 0 : i32
        %dma_start3A_247 = arith.constant 0 : i32
        %dma_start3A_248 = arith.constant 0 : i32
        %dma_start3A_249 = tpu.memref_slice %arg12[%dma_start3A_246, %dma_start3A_247, %dma_start3A_248] : memref<4x256x64xbf16, #tpu.memory_space<vmem>> -> memref<1x256x64xbf16, #tpu.memory_space<vmem>>
        %dma_start3A_250 = tpu.memref_squeeze %dma_start3A_249 : memref<1x256x64xbf16, #tpu.memory_space<vmem>> -> memref<256x64xbf16, #tpu.memory_space<vmem>>
        %dma_start3A_251 = arith.constant 0 : i32
        %dma_start3A_252 = tpu.memref_slice %arg10[%add3A_245, %dma_start3A_251] : memref<80x256xi32, #tpu.memory_space<vmem>> -> memref<1x256xi32, #tpu.memory_space<vmem>>
        %dma_start3A_253 = tpu.memref_squeeze %dma_start3A_252 : memref<1x256xi32, #tpu.memory_space<vmem>> -> memref<256xi32, #tpu.memory_space<vmem>>
        %dma_start3A_254 = arith.constant 0 : i32
        %dma_start3A_255 = arith.constant 0 : i32
        %dma_start3A_256 = tpu.memref_slice %arg2[%dma_start3A_254, %dma_start3A_255] : memref<20480x64xbf16, #tpu.memory_space<hbm>> -> memref<20480x64xbf16, #tpu.memory_space<hbm>>
        tpu.enqueue_indirect_dma source(%dma_start3A_256 : memref<20480x64xbf16, #tpu.memory_space<hbm>>) target(%dma_start3A_250 : memref<256x64xbf16, #tpu.memory_space<vmem>>) offsets(%dma_start3A_253 : memref<256xi32, #tpu.memory_space<vmem>>) semaphore(%arg16 : memref<!tpu.dma_semaphore, #tpu.memory_space<semaphore_mem>>)
      } else {
      }
      %add3A_204 = arith.constant 3 : i32
      %add3A_205 = arith.addi %mul3A_100, %add3A_204 : i32
      %dma_wait3A_206 = arith.constant 3 : i32
      %dma_wait3A_207 = arith.constant 0 : i32
      %dma_wait3A_208 = arith.constant 0 : i32
      %dma_wait3A_209 = tpu.memref_slice %arg12[%dma_wait3A_206, %dma_wait3A_207, %dma_wait3A_208] : memref<4x256x64xbf16, #tpu.memory_space<vmem>> -> memref<1x256x64xbf16, #tpu.memory_space<vmem>>
      %dma_wait3A_210 = tpu.memref_squeeze %dma_wait3A_209 : memref<1x256x64xbf16, #tpu.memory_space<vmem>> -> memref<256x64xbf16, #tpu.memory_space<vmem>>
      %dma_wait3A_211 = arith.constant 0 : i32
      %dma_wait3A_212 = tpu.memref_slice %arg10[%add3A_205, %dma_wait3A_211] : memref<80x256xi32, #tpu.memory_space<vmem>> -> memref<1x256xi32, #tpu.memory_space<vmem>>
      %dma_wait3A_213 = tpu.memref_squeeze %dma_wait3A_212 : memref<1x256xi32, #tpu.memory_space<vmem>> -> memref<256xi32, #tpu.memory_space<vmem>>
      %dma_wait3A_214 = arith.constant 0 : i32
      %dma_wait3A_215 = arith.constant 0 : i32
      %dma_wait3A_216 = tpu.memref_slice %arg2[%dma_wait3A_214, %dma_wait3A_215] : memref<20480x64xbf16, #tpu.memory_space<hbm>> -> memref<20480x64xbf16, #tpu.memory_space<hbm>>
      tpu.wait_indirect_dma semaphore(%arg19 : memref<!tpu.dma_semaphore, #tpu.memory_space<semaphore_mem>>) src(%dma_wait3A_216 : memref<20480x64xbf16, #tpu.memory_space<hbm>>) dst(%dma_wait3A_210 : memref<256x64xbf16, #tpu.memory_space<vmem>>)
      %dma_start3A_217 = arith.constant 3 : i32
      %dma_start3A_218 = arith.constant 0 : i32
      %dma_start3A_219 = arith.constant 0 : i32
      %dma_start3A_220 = tpu.memref_slice %arg12[%dma_start3A_217, %dma_start3A_218, %dma_start3A_219] : memref<4x256x64xbf16, #tpu.memory_space<vmem>> -> memref<1x256x64xbf16, #tpu.memory_space<vmem>>
      %dma_start3A_221 = tpu.memref_squeeze %dma_start3A_220 : memref<1x256x64xbf16, #tpu.memory_space<vmem>> -> memref<256x64xbf16, #tpu.memory_space<vmem>>
      %dma_start3A_222 = arith.constant 0 : i32
      %dma_start3A_223 = tpu.memref_slice %arg11[%add3A_205, %dma_start3A_222] : memref<80x256xi32, #tpu.memory_space<vmem>> -> memref<1x256xi32, #tpu.memory_space<vmem>>
      %dma_start3A_224 = tpu.memref_squeeze %dma_start3A_223 : memref<1x256xi32, #tpu.memory_space<vmem>> -> memref<256xi32, #tpu.memory_space<vmem>>
      %dma_start3A_225 = arith.constant 0 : i32
      %dma_start3A_226 = arith.constant 0 : i32
      %dma_start3A_227 = tpu.memref_slice %arg14[%dma_start3A_225, %dma_start3A_226] : memref<10240x64xbf16, #tpu.memory_space<vmem_shared>> -> memref<10240x64xbf16, #tpu.memory_space<vmem_shared>>
      tpu.enqueue_indirect_dma source(%dma_start3A_221 : memref<256x64xbf16, #tpu.memory_space<vmem>>) target(%dma_start3A_227 : memref<10240x64xbf16, #tpu.memory_space<vmem_shared>>) offsets(%dma_start3A_224 : memref<256xi32, #tpu.memory_space<vmem>>) semaphore(%arg23 : memref<!tpu.dma_semaphore, #tpu.memory_space<semaphore_mem>>) {add = true}
      %eq3A_228 = arith.constant 1 : i32
      %eq3A_229 = arith.cmpi eq, %arg0, %eq3A_228 : i32
      %convert_element_type3A_230 = arith.extui %eq3A_229 : i1 to i32
      %cond3A_231 = arith.constant 0 : i32
      %cond3A_232 = arith.cmpi ne, %convert_element_type3A_230, %cond3A_231 : i32
      scf.if %cond3A_232 {
        %ge3A = arith.constant 3 : i32
        %ge3A_240 = arith.cmpi sge, %add3A_205, %ge3A : i32
        %convert_element_type3A_241 = arith.extui %ge3A_240 : i1 to i32
        %cond3A_242 = arith.constant 0 : i32
        %cond3A_243 = arith.cmpi ne, %convert_element_type3A_241, %cond3A_242 : i32
        scf.if %cond3A_243 {
          %dma_wait3A_250 = arith.constant 0 : i32
          %dma_wait3A_251 = tpu.memref_slice %arg11[%add3A_205, %dma_wait3A_250] : memref<80x256xi32, #tpu.memory_space<vmem>> -> memref<1x256xi32, #tpu.memory_space<vmem>>
          %dma_wait3A_252 = tpu.memref_squeeze %dma_wait3A_251 : memref<1x256xi32, #tpu.memory_space<vmem>> -> memref<256xi32, #tpu.memory_space<vmem>>
          %dma_wait3A_253 = arith.constant 0 : i32
          %dma_wait3A_254 = arith.constant 0 : i32
          %dma_wait3A_255 = tpu.memref_slice %arg15[%dma_wait3A_253, %dma_wait3A_254] : memref<10240x16xf32, #tpu.memory_space<vmem_shared>> -> memref<10240x16xf32, #tpu.memory_space<vmem_shared>>
          tpu.wait_indirect_dma semaphore(%arg24 : memref<!tpu.dma_semaphore, #tpu.memory_space<semaphore_mem>>) src(%arg13 : memref<256x16xf32, #tpu.memory_space<vmem>>) dst(%dma_wait3A_255 : memref<10240x16xf32, #tpu.memory_space<vmem_shared>>)
        } else {
        }
        %dma_start3A_244 = arith.constant 0 : i32
        %dma_start3A_245 = tpu.memref_slice %arg11[%add3A_205, %dma_start3A_244] : memref<80x256xi32, #tpu.memory_space<vmem>> -> memref<1x256xi32, #tpu.memory_space<vmem>>
        %dma_start3A_246 = tpu.memref_squeeze %dma_start3A_245 : memref<1x256xi32, #tpu.memory_space<vmem>> -> memref<256xi32, #tpu.memory_space<vmem>>
        %dma_start3A_247 = arith.constant 0 : i32
        %dma_start3A_248 = arith.constant 0 : i32
        %dma_start3A_249 = tpu.memref_slice %arg15[%dma_start3A_247, %dma_start3A_248] : memref<10240x16xf32, #tpu.memory_space<vmem_shared>> -> memref<10240x16xf32, #tpu.memory_space<vmem_shared>>
        tpu.enqueue_indirect_dma source(%arg13 : memref<256x16xf32, #tpu.memory_space<vmem>>) target(%dma_start3A_249 : memref<10240x16xf32, #tpu.memory_space<vmem_shared>>) offsets(%dma_start3A_246 : memref<256xi32, #tpu.memory_space<vmem>>) semaphore(%arg24 : memref<!tpu.dma_semaphore, #tpu.memory_space<semaphore_mem>>) {add = true}
      } else {
      }
      %add3A_233 = arith.constant 2 : i32
      %add3A_234 = arith.addi %add3A_205, %add3A_233 : i32
      %lt3A_235 = arith.constant 80 : i32
      %lt3A_236 = arith.cmpi slt, %add3A_234, %lt3A_235 : i32
      %convert_element_type3A_237 = arith.extui %lt3A_236 : i1 to i32
      %cond3A_238 = arith.constant 0 : i32
      %cond3A_239 = arith.cmpi ne, %convert_element_type3A_237, %cond3A_238 : i32
      scf.if %cond3A_239 {
        %ge3A = arith.constant 2 : i32
        %ge3A_240 = arith.cmpi sge, %add3A_205, %ge3A : i32
        %convert_element_type3A_241 = arith.extui %ge3A_240 : i1 to i32
        %cond3A_242 = arith.constant 0 : i32
        %cond3A_243 = arith.cmpi ne, %convert_element_type3A_241, %cond3A_242 : i32
        scf.if %cond3A_243 {
          %dma_wait3A_257 = arith.constant 1 : i32
          %dma_wait3A_258 = arith.constant 0 : i32
          %dma_wait3A_259 = arith.constant 0 : i32
          %dma_wait3A_260 = tpu.memref_slice %arg12[%dma_wait3A_257, %dma_wait3A_258, %dma_wait3A_259] : memref<4x256x64xbf16, #tpu.memory_space<vmem>> -> memref<1x256x64xbf16, #tpu.memory_space<vmem>>
          %dma_wait3A_261 = tpu.memref_squeeze %dma_wait3A_260 : memref<1x256x64xbf16, #tpu.memory_space<vmem>> -> memref<256x64xbf16, #tpu.memory_space<vmem>>
          %dma_wait3A_262 = arith.constant 0 : i32
          %dma_wait3A_263 = tpu.memref_slice %arg11[%add3A_205, %dma_wait3A_262] : memref<80x256xi32, #tpu.memory_space<vmem>> -> memref<1x256xi32, #tpu.memory_space<vmem>>
          %dma_wait3A_264 = tpu.memref_squeeze %dma_wait3A_263 : memref<1x256xi32, #tpu.memory_space<vmem>> -> memref<256xi32, #tpu.memory_space<vmem>>
          %dma_wait3A_265 = arith.constant 0 : i32
          %dma_wait3A_266 = arith.constant 0 : i32
          %dma_wait3A_267 = tpu.memref_slice %arg14[%dma_wait3A_265, %dma_wait3A_266] : memref<10240x64xbf16, #tpu.memory_space<vmem_shared>> -> memref<10240x64xbf16, #tpu.memory_space<vmem_shared>>
          tpu.wait_indirect_dma semaphore(%arg21 : memref<!tpu.dma_semaphore, #tpu.memory_space<semaphore_mem>>) src(%dma_wait3A_261 : memref<256x64xbf16, #tpu.memory_space<vmem>>) dst(%dma_wait3A_267 : memref<10240x64xbf16, #tpu.memory_space<vmem_shared>>)
        } else {
        }
        %add3A_244 = arith.constant 2 : i32
        %add3A_245 = arith.addi %add3A_205, %add3A_244 : i32
        %dma_start3A_246 = arith.constant 1 : i32
        %dma_start3A_247 = arith.constant 0 : i32
        %dma_start3A_248 = arith.constant 0 : i32
        %dma_start3A_249 = tpu.memref_slice %arg12[%dma_start3A_246, %dma_start3A_247, %dma_start3A_248] : memref<4x256x64xbf16, #tpu.memory_space<vmem>> -> memref<1x256x64xbf16, #tpu.memory_space<vmem>>
        %dma_start3A_250 = tpu.memref_squeeze %dma_start3A_249 : memref<1x256x64xbf16, #tpu.memory_space<vmem>> -> memref<256x64xbf16, #tpu.memory_space<vmem>>
        %dma_start3A_251 = arith.constant 0 : i32
        %dma_start3A_252 = tpu.memref_slice %arg10[%add3A_245, %dma_start3A_251] : memref<80x256xi32, #tpu.memory_space<vmem>> -> memref<1x256xi32, #tpu.memory_space<vmem>>
        %dma_start3A_253 = tpu.memref_squeeze %dma_start3A_252 : memref<1x256xi32, #tpu.memory_space<vmem>> -> memref<256xi32, #tpu.memory_space<vmem>>
        %dma_start3A_254 = arith.constant 0 : i32
        %dma_start3A_255 = arith.constant 0 : i32
        %dma_start3A_256 = tpu.memref_slice %arg2[%dma_start3A_254, %dma_start3A_255] : memref<20480x64xbf16, #tpu.memory_space<hbm>> -> memref<20480x64xbf16, #tpu.memory_space<hbm>>
        tpu.enqueue_indirect_dma source(%dma_start3A_256 : memref<20480x64xbf16, #tpu.memory_space<hbm>>) target(%dma_start3A_250 : memref<256x64xbf16, #tpu.memory_space<vmem>>) offsets(%dma_start3A_253 : memref<256xi32, #tpu.memory_space<vmem>>) semaphore(%arg17 : memref<!tpu.dma_semaphore, #tpu.memory_space<semaphore_mem>>)
      } else {
      }
    }
    %scan3A_34 = arith.constant 20 : i32
    %dma_wait3A = arith.constant 0 : i32
    %dma_wait3A_35 = arith.constant 0 : i32
    %dma_wait3A_36 = arith.constant 0 : i32
    %dma_wait3A_37 = arith.constant 0 : i32
    %dma_wait3A_38 = tpu.memref_slice %arg12[%dma_wait3A, %dma_wait3A_36, %dma_wait3A_37] : memref<4x256x64xbf16, #tpu.memory_space<vmem>> -> memref<1x256x64xbf16, #tpu.memory_space<vmem>>
    %dma_wait3A_39 = tpu.memref_squeeze %dma_wait3A_38 : memref<1x256x64xbf16, #tpu.memory_space<vmem>> -> memref<256x64xbf16, #tpu.memory_space<vmem>>
    %dma_wait3A_40 = arith.constant 0 : i32
    %dma_wait3A_41 = tpu.memref_slice %arg11[%dma_wait3A_35, %dma_wait3A_40] : memref<80x256xi32, #tpu.memory_space<vmem>> -> memref<1x256xi32, #tpu.memory_space<vmem>>
    %dma_wait3A_42 = tpu.memref_squeeze %dma_wait3A_41 : memref<1x256xi32, #tpu.memory_space<vmem>> -> memref<256xi32, #tpu.memory_space<vmem>>
    %dma_wait3A_43 = arith.constant 0 : i32
    %dma_wait3A_44 = arith.constant 0 : i32
    %dma_wait3A_45 = tpu.memref_slice %arg14[%dma_wait3A_43, %dma_wait3A_44] : memref<10240x64xbf16, #tpu.memory_space<vmem_shared>> -> memref<10240x64xbf16, #tpu.memory_space<vmem_shared>>
    tpu.wait_indirect_dma semaphore(%arg20 : memref<!tpu.dma_semaphore, #tpu.memory_space<semaphore_mem>>) src(%dma_wait3A_39 : memref<256x64xbf16, #tpu.memory_space<vmem>>) dst(%dma_wait3A_45 : memref<10240x64xbf16, #tpu.memory_space<vmem_shared>>)
    %dma_wait3A_46 = arith.constant 1 : i32
    %dma_wait3A_47 = arith.constant 0 : i32
    %dma_wait3A_48 = arith.constant 0 : i32
    %dma_wait3A_49 = arith.constant 0 : i32
    %dma_wait3A_50 = tpu.memref_slice %arg12[%dma_wait3A_46, %dma_wait3A_48, %dma_wait3A_49] : memref<4x256x64xbf16, #tpu.memory_space<vmem>> -> memref<1x256x64xbf16, #tpu.memory_space<vmem>>
    %dma_wait3A_51 = tpu.memref_squeeze %dma_wait3A_50 : memref<1x256x64xbf16, #tpu.memory_space<vmem>> -> memref<256x64xbf16, #tpu.memory_space<vmem>>
    %dma_wait3A_52 = arith.constant 0 : i32
    %dma_wait3A_53 = tpu.memref_slice %arg11[%dma_wait3A_47, %dma_wait3A_52] : memref<80x256xi32, #tpu.memory_space<vmem>> -> memref<1x256xi32, #tpu.memory_space<vmem>>
    %dma_wait3A_54 = tpu.memref_squeeze %dma_wait3A_53 : memref<1x256xi32, #tpu.memory_space<vmem>> -> memref<256xi32, #tpu.memory_space<vmem>>
    %dma_wait3A_55 = arith.constant 0 : i32
    %dma_wait3A_56 = arith.constant 0 : i32
    %dma_wait3A_57 = tpu.memref_slice %arg14[%dma_wait3A_55, %dma_wait3A_56] : memref<10240x64xbf16, #tpu.memory_space<vmem_shared>> -> memref<10240x64xbf16, #tpu.memory_space<vmem_shared>>
    tpu.wait_indirect_dma semaphore(%arg21 : memref<!tpu.dma_semaphore, #tpu.memory_space<semaphore_mem>>) src(%dma_wait3A_51 : memref<256x64xbf16, #tpu.memory_space<vmem>>) dst(%dma_wait3A_57 : memref<10240x64xbf16, #tpu.memory_space<vmem_shared>>)
    %dma_wait3A_58 = arith.constant 2 : i32
    %dma_wait3A_59 = arith.constant 0 : i32
    %dma_wait3A_60 = arith.constant 0 : i32
    %dma_wait3A_61 = arith.constant 0 : i32
    %dma_wait3A_62 = tpu.memref_slice %arg12[%dma_wait3A_58, %dma_wait3A_60, %dma_wait3A_61] : memref<4x256x64xbf16, #tpu.memory_space<vmem>> -> memref<1x256x64xbf16, #tpu.memory_space<vmem>>
    %dma_wait3A_63 = tpu.memref_squeeze %dma_wait3A_62 : memref<1x256x64xbf16, #tpu.memory_space<vmem>> -> memref<256x64xbf16, #tpu.memory_space<vmem>>
    %dma_wait3A_64 = arith.constant 0 : i32
    %dma_wait3A_65 = tpu.memref_slice %arg11[%dma_wait3A_59, %dma_wait3A_64] : memref<80x256xi32, #tpu.memory_space<vmem>> -> memref<1x256xi32, #tpu.memory_space<vmem>>
    %dma_wait3A_66 = tpu.memref_squeeze %dma_wait3A_65 : memref<1x256xi32, #tpu.memory_space<vmem>> -> memref<256xi32, #tpu.memory_space<vmem>>
    %dma_wait3A_67 = arith.constant 0 : i32
    %dma_wait3A_68 = arith.constant 0 : i32
    %dma_wait3A_69 = tpu.memref_slice %arg14[%dma_wait3A_67, %dma_wait3A_68] : memref<10240x64xbf16, #tpu.memory_space<vmem_shared>> -> memref<10240x64xbf16, #tpu.memory_space<vmem_shared>>
    tpu.wait_indirect_dma semaphore(%arg22 : memref<!tpu.dma_semaphore, #tpu.memory_space<semaphore_mem>>) src(%dma_wait3A_63 : memref<256x64xbf16, #tpu.memory_space<vmem>>) dst(%dma_wait3A_69 : memref<10240x64xbf16, #tpu.memory_space<vmem_shared>>)
    %dma_wait3A_70 = arith.constant 3 : i32
    %dma_wait3A_71 = arith.constant 0 : i32
    %dma_wait3A_72 = arith.constant 0 : i32
    %dma_wait3A_73 = arith.constant 0 : i32
    %dma_wait3A_74 = tpu.memref_slice %arg12[%dma_wait3A_70, %dma_wait3A_72, %dma_wait3A_73] : memref<4x256x64xbf16, #tpu.memory_space<vmem>> -> memref<1x256x64xbf16, #tpu.memory_space<vmem>>
    %dma_wait3A_75 = tpu.memref_squeeze %dma_wait3A_74 : memref<1x256x64xbf16, #tpu.memory_space<vmem>> -> memref<256x64xbf16, #tpu.memory_space<vmem>>
    %dma_wait3A_76 = arith.constant 0 : i32
    %dma_wait3A_77 = tpu.memref_slice %arg11[%dma_wait3A_71, %dma_wait3A_76] : memref<80x256xi32, #tpu.memory_space<vmem>> -> memref<1x256xi32, #tpu.memory_space<vmem>>
    %dma_wait3A_78 = tpu.memref_squeeze %dma_wait3A_77 : memref<1x256xi32, #tpu.memory_space<vmem>> -> memref<256xi32, #tpu.memory_space<vmem>>
    %dma_wait3A_79 = arith.constant 0 : i32
    %dma_wait3A_80 = arith.constant 0 : i32
    %dma_wait3A_81 = tpu.memref_slice %arg14[%dma_wait3A_79, %dma_wait3A_80] : memref<10240x64xbf16, #tpu.memory_space<vmem_shared>> -> memref<10240x64xbf16, #tpu.memory_space<vmem_shared>>
    tpu.wait_indirect_dma semaphore(%arg23 : memref<!tpu.dma_semaphore, #tpu.memory_space<semaphore_mem>>) src(%dma_wait3A_75 : memref<256x64xbf16, #tpu.memory_space<vmem>>) dst(%dma_wait3A_81 : memref<10240x64xbf16, #tpu.memory_space<vmem_shared>>)
    %dma_wait3A_82 = arith.constant 0 : i32
    %dma_wait3A_83 = arith.constant 0 : i32
    %dma_wait3A_84 = tpu.memref_slice %arg11[%dma_wait3A_82, %dma_wait3A_83] : memref<80x256xi32, #tpu.memory_space<vmem>> -> memref<1x256xi32, #tpu.memory_space<vmem>>
    %dma_wait3A_85 = tpu.memref_squeeze %dma_wait3A_84 : memref<1x256xi32, #tpu.memory_space<vmem>> -> memref<256xi32, #tpu.memory_space<vmem>>
    %dma_wait3A_86 = arith.constant 0 : i32
    %dma_wait3A_87 = arith.constant 0 : i32
    %dma_wait3A_88 = tpu.memref_slice %arg15[%dma_wait3A_86, %dma_wait3A_87] : memref<10240x16xf32, #tpu.memory_space<vmem_shared>> -> memref<10240x16xf32, #tpu.memory_space<vmem_shared>>
    tpu.wait_indirect_dma semaphore(%arg24 : memref<!tpu.dma_semaphore, #tpu.memory_space<semaphore_mem>>) src(%arg13 : memref<256x16xf32, #tpu.memory_space<vmem>>) dst(%dma_wait3A_88 : memref<10240x16xf32, #tpu.memory_space<vmem_shared>>)
    %barrier3A_89 = arith.constant 0 : index
    tpu.barrier barrier_id(%barrier3A_89)
    %mul3A_90 = arith.constant 640 : i32
    %mul3A_91 = arith.muli %arg1, %mul3A_90 : i32
    %mul3A_92 = arith.constant 640 : i32
    %mul3A_93 = arith.muli %arg1, %mul3A_92 : i32
    "tpu.region"() ({
      %run_scoped3A = tpu.sem_alloc : memref<!tpu.dma_semaphore, #tpu.memory_space<semaphore_mem>>
      %dma_start3A_98 = arith.constant 0 : i32
      %dma_start3A_99 = tpu.memref_slice %arg8[%arg0, %mul3A_93, %dma_start3A_98] : memref<2x10240x64xbf16, #tpu.memory_space<hbm>> -> memref<1x640x64xbf16, #tpu.memory_space<hbm>>
      %dma_start3A_100 = tpu.memref_squeeze %dma_start3A_99 : memref<1x640x64xbf16, #tpu.memory_space<hbm>> -> memref<640x64xbf16, #tpu.memory_space<hbm>>
      %dma_start3A_101 = arith.constant 0 : i32
      %dma_start3A_102 = tpu.memref_slice %arg14[%mul3A_91, %dma_start3A_101] : memref<10240x64xbf16, #tpu.memory_space<vmem_shared>> -> memref<640x64xbf16, #tpu.memory_space<vmem_shared>>
      tpu.enqueue_dma source(%dma_start3A_102 : memref<640x64xbf16, #tpu.memory_space<vmem_shared>>) target(%dma_start3A_100 : memref<640x64xbf16, #tpu.memory_space<hbm>>) target_semaphore(%run_scoped3A : memref<!tpu.dma_semaphore, #tpu.memory_space<semaphore_mem>>)
      %dma_wait3A_103 = arith.constant 0 : i32
      %dma_wait3A_104 = tpu.memref_slice %arg8[%arg0, %mul3A_93, %dma_wait3A_103] : memref<2x10240x64xbf16, #tpu.memory_space<hbm>> -> memref<1x640x64xbf16, #tpu.memory_space<hbm>>
      %dma_wait3A_105 = tpu.memref_squeeze %dma_wait3A_104 : memref<1x640x64xbf16, #tpu.memory_space<hbm>> -> memref<640x64xbf16, #tpu.memory_space<hbm>>
      %dma_wait3A_106 = arith.constant 0 : i32
      %dma_wait3A_107 = tpu.memref_slice %arg14[%mul3A_91, %dma_wait3A_106] : memref<10240x64xbf16, #tpu.memory_space<vmem_shared>> -> memref<640x64xbf16, #tpu.memory_space<vmem_shared>>
      tpu.wait_dma2 semaphore(%run_scoped3A : memref<!tpu.dma_semaphore, #tpu.memory_space<semaphore_mem>>) src(%dma_wait3A_107 : memref<640x64xbf16, #tpu.memory_space<vmem_shared>>) dst(%dma_wait3A_105 : memref<640x64xbf16, #tpu.memory_space<hbm>>)
      tpu.yield
    }) : () -> ()
    %mul3A_94 = arith.constant 640 : i32
    %mul3A_95 = arith.muli %arg1, %mul3A_94 : i32
    %mul3A_96 = arith.constant 640 : i32
    %mul3A_97 = arith.muli %arg1, %mul3A_96 : i32
    "tpu.region"() ({
      %run_scoped3A = tpu.sem_alloc : memref<!tpu.dma_semaphore, #tpu.memory_space<semaphore_mem>>
      %dma_start3A_98 = arith.constant 0 : i32
      %dma_start3A_99 = tpu.memref_slice %arg9[%arg0, %mul3A_97, %dma_start3A_98] : memref<2x10240x16xf32, #tpu.memory_space<hbm>> -> memref<1x640x16xf32, #tpu.memory_space<hbm>>
      %dma_start3A_100 = tpu.memref_squeeze %dma_start3A_99 : memref<1x640x16xf32, #tpu.memory_space<hbm>> -> memref<640x16xf32, #tpu.memory_space<hbm>>
      %dma_start3A_101 = arith.constant 0 : i32
      %dma_start3A_102 = tpu.memref_slice %arg15[%mul3A_95, %dma_start3A_101] : memref<10240x16xf32, #tpu.memory_space<vmem_shared>> -> memref<640x16xf32, #tpu.memory_space<vmem_shared>>
      tpu.enqueue_dma source(%dma_start3A_102 : memref<640x16xf32, #tpu.memory_space<vmem_shared>>) target(%dma_start3A_100 : memref<640x16xf32, #tpu.memory_space<hbm>>) target_semaphore(%run_scoped3A : memref<!tpu.dma_semaphore, #tpu.memory_space<semaphore_mem>>)
      %dma_wait3A_103 = arith.constant 0 : i32
      %dma_wait3A_104 = tpu.memref_slice %arg9[%arg0, %mul3A_97, %dma_wait3A_103] : memref<2x10240x16xf32, #tpu.memory_space<hbm>> -> memref<1x640x16xf32, #tpu.memory_space<hbm>>
      %dma_wait3A_105 = tpu.memref_squeeze %dma_wait3A_104 : memref<1x640x16xf32, #tpu.memory_space<hbm>> -> memref<640x16xf32, #tpu.memory_space<hbm>>
      %dma_wait3A_106 = arith.constant 0 : i32
      %dma_wait3A_107 = tpu.memref_slice %arg15[%mul3A_95, %dma_wait3A_106] : memref<10240x16xf32, #tpu.memory_space<vmem_shared>> -> memref<640x16xf32, #tpu.memory_space<vmem_shared>>
      tpu.wait_dma2 semaphore(%run_scoped3A : memref<!tpu.dma_semaphore, #tpu.memory_space<semaphore_mem>>) src(%dma_wait3A_107 : memref<640x16xf32, #tpu.memory_space<vmem_shared>>) dst(%dma_wait3A_105 : memref<640x16xf32, #tpu.memory_space<hbm>>)
      tpu.yield
    }) : () -> ()
    return
  }
}

module attributes {stable_mosaic.version = 14 : i64} {
  func.func @_tc_pre_body(%arg0: i32, %arg1: memref<5120x128xf32, #tpu.memory_space<vmem>>, %arg2: memref<128x128xf32, #tpu.memory_space<vmem>>, %arg3: memref<128x128xf32, #tpu.memory_space<vmem>>, %arg4: memref<1x128xf32, #tpu.memory_space<vmem>>, %arg5: memref<2x5120x64xbf16, #tpu.memory_space<vmem>>, %arg6: memref<5120x128xf32, #tpu.memory_space<vmem>>) attributes {dimension_semantics = [#tpu.dimension_semantics<arbitrary>], iteration_bounds = array<i64: 2>, scalar_prefetch = 0 : i64, scratch_operands = 0 : i64, tpu.core_type = #tpu.core_type<tc>, window_params = [{transform_indices = @transform_0, window_bounds = array<i64: 5120, 128>}, {pipeline_mode = #tpu.pipeline_mode<synchronous>, transform_indices = @transform_1, window_bounds = array<i64: 128, 128>}, {pipeline_mode = #tpu.pipeline_mode<synchronous>, transform_indices = @transform_2, window_bounds = array<i64: 128, 128>}, {pipeline_mode = #tpu.pipeline_mode<synchronous>, transform_indices = @transform_3, window_bounds = array<i64: 1, 128>}, {transform_indices = @transform_4, window_bounds = array<i64: 2, 5120, 64>}, {transform_indices = @transform_5, window_bounds = array<i64: 5120, 128>}]} {
    %get3A = arith.constant 0 : index
    %get3A_0 = arith.constant 0 : index
    %get3A_1 = vector.load %arg1[%get3A, %get3A_0] : memref<5120x128xf32, #tpu.memory_space<vmem>>, vector<5120x128xf32>
    %get3A_2 = arith.constant 0 : index
    %get3A_3 = arith.constant 0 : index
    %get3A_4 = vector.load %arg2[%get3A_2, %get3A_3] : memref<128x128xf32, #tpu.memory_space<vmem>>, vector<128x128xf32>
    %dot_general3A = arith.constant dense<0.000000e+00> : vector<5120x128xf32>
    %dot_general3A_5 = tpu.matmul %get3A_1, %get3A_4, %dot_general3A {dimension_numbers = #tpu.dot_dimension_numbers<[1], [0], [0], [1], [0, 0, 1, 1], [], []>, transpose_lhs_hint = false} : vector<5120x128xf32>, vector<128x128xf32>, vector<5120x128xf32> -> vector<5120x128xf32>
    %convert_element_type3A = arith.truncf %dot_general3A_5 : vector<5120x128xf32> to vector<5120x128xbf16>
    %slice3A = vector.extract_strided_slice %convert_element_type3A {offsets = [0, 0], sizes = [5120, 64], strides = [1, 1]} : vector<5120x128xbf16> to vector<5120x64xbf16>
    %swap3A = arith.constant 0 : index
    %swap3A_6 = arith.constant 0 : index
    %swap3A_7 = arith.constant 0 : index
    %swap3A_8 = vector.load %arg5[%swap3A, %swap3A_6, %swap3A_7] : memref<2x5120x64xbf16, #tpu.memory_space<vmem>>, vector<1x5120x64xbf16>
    %swap3A_9 = vector.shape_cast %swap3A_8 : vector<1x5120x64xbf16> to vector<5120x64xbf16>
    %swap3A_10 = vector.shape_cast %slice3A : vector<5120x64xbf16> to vector<1x5120x64xbf16>
    tpu.vector_store %arg5[%swap3A, %swap3A_6, %swap3A_7], %swap3A_10 {strides = array<i32>} : memref<2x5120x64xbf16, #tpu.memory_space<vmem>>, vector<1x5120x64xbf16>,
    %slice3A_11 = vector.extract_strided_slice %convert_element_type3A {offsets = [0, 64], sizes = [5120, 64], strides = [1, 1]} : vector<5120x128xbf16> to vector<5120x64xbf16>
    %swap3A_12 = arith.constant 1 : index
    %swap3A_13 = arith.constant 0 : index
    %swap3A_14 = arith.constant 0 : index
    %swap3A_15 = vector.load %arg5[%swap3A_12, %swap3A_13, %swap3A_14] : memref<2x5120x64xbf16, #tpu.memory_space<vmem>>, vector<1x5120x64xbf16>
    %swap3A_16 = vector.shape_cast %swap3A_15 : vector<1x5120x64xbf16> to vector<5120x64xbf16>
    %swap3A_17 = vector.shape_cast %slice3A_11 : vector<5120x64xbf16> to vector<1x5120x64xbf16>
    tpu.vector_store %arg5[%swap3A_12, %swap3A_13, %swap3A_14], %swap3A_17 {strides = array<i32>} : memref<2x5120x64xbf16, #tpu.memory_space<vmem>>, vector<1x5120x64xbf16>,
    %get3A_18 = arith.constant 0 : index
    %get3A_19 = arith.constant 0 : index
    %get3A_20 = vector.load %arg3[%get3A_18, %get3A_19] : memref<128x128xf32, #tpu.memory_space<vmem>>, vector<128x128xf32>
    %dot_general3A_21 = arith.constant dense<0.000000e+00> : vector<5120x128xf32>
    %dot_general3A_22 = tpu.matmul %get3A_1, %get3A_20, %dot_general3A_21 {dimension_numbers = #tpu.dot_dimension_numbers<[1], [0], [0], [1], [0, 0, 1, 1], [], []>, transpose_lhs_hint = false} : vector<5120x128xf32>, vector<128x128xf32>, vector<5120x128xf32> -> vector<5120x128xf32>
    %get3A_23 = arith.constant 0 : index
    %get3A_24 = arith.constant 0 : index
    %get3A_25 = vector.load %arg4[%get3A_23, %get3A_24] : memref<1x128xf32, #tpu.memory_space<vmem>>, vector<1x128xf32>
    %add3A = vector.broadcast %get3A_25 : vector<1x128xf32> to vector<5120x128xf32>
    %add3A_26 = arith.addf %dot_general3A_22, %add3A : vector<5120x128xf32>
    %swap3A_27 = arith.constant 0 : index
    %swap3A_28 = arith.constant 0 : index
    %swap3A_29 = vector.load %arg6[%swap3A_27, %swap3A_28] : memref<5120x128xf32, #tpu.memory_space<vmem>>, vector<5120x128xf32>
    tpu.vector_store %arg6[%swap3A_27, %swap3A_28], %add3A_26 {strides = array<i32>} : memref<5120x128xf32, #tpu.memory_space<vmem>>, vector<5120x128xf32>,
    return
  }
  func.func @transform_0(%arg0: i32) -> (i32, i32) {
    %c0_i32 = arith.constant 0 : i32
    %c0_i32_0 = arith.constant 0 : i32
    return %arg0, %c0_i32 : i32, i32
  }
  func.func @transform_1(%arg0: i32) -> (i32, i32) {
    %c0_i32 = arith.constant 0 : i32
    %c0_i32_0 = arith.constant 0 : i32
    %c0_i32_1 = arith.constant 0 : i32
    return %c0_i32, %c0_i32_0 : i32, i32
  }
  func.func @transform_2(%arg0: i32) -> (i32, i32) {
    %c0_i32 = arith.constant 0 : i32
    %c0_i32_0 = arith.constant 0 : i32
    %c0_i32_1 = arith.constant 0 : i32
    return %c0_i32, %c0_i32_0 : i32, i32
  }
  func.func @transform_3(%arg0: i32) -> (i32, i32) {
    %c0_i32 = arith.constant 0 : i32
    %c0_i32_0 = arith.constant 0 : i32
    %c0_i32_1 = arith.constant 0 : i32
    return %c0_i32, %c0_i32_0 : i32, i32
  }
  func.func @transform_4(%arg0: i32) -> (i32, i32, i32) {
    %c0_i32 = arith.constant 0 : i32
    %c0_i32_0 = arith.constant 0 : i32
    %c0_i32_1 = arith.constant 0 : i32
    return %c0_i32, %arg0, %c0_i32_0 : i32, i32, i32
  }
  func.func @transform_5(%arg0: i32) -> (i32, i32) {
    %c0_i32 = arith.constant 0 : i32
    %c0_i32_0 = arith.constant 0 : i32
    return %arg0, %c0_i32 : i32, i32
  }
}

module attributes {stable_mosaic.version = 14 : i64} {
  func.func @_tc_mid_body(%arg0: i32, %arg1: memref<2x5120x64xbf16, #tpu.memory_space<vmem>>, %arg2: memref<2x5120x16xf32, #tpu.memory_space<vmem>>, %arg3: memref<5120x128xf32, #tpu.memory_space<vmem>>, %arg4: memref<128x128xf32, #tpu.memory_space<vmem>>, %arg5: memref<128x128xf32, #tpu.memory_space<vmem>>, %arg6: memref<1x128xf32, #tpu.memory_space<vmem>>, %arg7: memref<2x5120x64xbf16, #tpu.memory_space<vmem>>, %arg8: memref<5120x128xf32, #tpu.memory_space<vmem>>, %arg9: memref<5120x16xf32, #tpu.memory_space<vmem>>) attributes {dimension_semantics = [#tpu.dimension_semantics<arbitrary>], iteration_bounds = array<i64: 2>, scalar_prefetch = 0 : i64, scratch_operands = 0 : i64, tpu.core_type = #tpu.core_type<tc>, window_params = [{transform_indices = @transform_0, window_bounds = array<i64: 2, 5120, 64>}, {transform_indices = @transform_1, window_bounds = array<i64: 2, 5120, 16>}, {transform_indices = @transform_2, window_bounds = array<i64: 5120, 128>}, {pipeline_mode = #tpu.pipeline_mode<synchronous>, transform_indices = @transform_3, window_bounds = array<i64: 128, 128>}, {pipeline_mode = #tpu.pipeline_mode<synchronous>, transform_indices = @transform_4, window_bounds = array<i64: 128, 128>}, {pipeline_mode = #tpu.pipeline_mode<synchronous>, transform_indices = @transform_5, window_bounds = array<i64: 1, 128>}, {transform_indices = @transform_6, window_bounds = array<i64: 2, 5120, 64>}, {transform_indices = @transform_7, window_bounds = array<i64: 5120, 128>}, {transform_indices = @transform_8, window_bounds = array<i64: 5120, 16>}]} {
    %get3A = arith.constant 0 : index
    %get3A_0 = arith.constant 0 : index
    %get3A_1 = arith.constant 0 : index
    %get3A_2 = vector.load %arg1[%get3A, %get3A_0, %get3A_1] : memref<2x5120x64xbf16, #tpu.memory_space<vmem>>, vector<1x5120x64xbf16>
    %get3A_3 = vector.shape_cast %get3A_2 : vector<1x5120x64xbf16> to vector<5120x64xbf16>
    %get3A_4 = arith.constant 1 : index
    %get3A_5 = arith.constant 0 : index
    %get3A_6 = arith.constant 0 : index
    %get3A_7 = vector.load %arg1[%get3A_4, %get3A_5, %get3A_6] : memref<2x5120x64xbf16, #tpu.memory_space<vmem>>, vector<1x5120x64xbf16>
    %get3A_8 = vector.shape_cast %get3A_7 : vector<1x5120x64xbf16> to vector<5120x64xbf16>
    %concatenate3A = tpu.concatenate %get3A_3, %get3A_8 in 1 : vector<5120x64xbf16>, vector<5120x64xbf16> -> vector<5120x128xbf16>
    %convert_element_type3A = arith.extf %concatenate3A : vector<5120x128xbf16> to vector<5120x128xf32>
    %get3A_9 = arith.constant 0 : index
    %get3A_10 = arith.constant 0 : index
    %get3A_11 = arith.constant 0 : index
    %get3A_12 = vector.load %arg2[%get3A_9, %get3A_10, %get3A_11] : memref<2x5120x16xf32, #tpu.memory_space<vmem>>, vector<1x5120x16xf32>
    %get3A_13 = vector.shape_cast %get3A_12 : vector<1x5120x16xf32> to vector<5120x16xf32>
    %get3A_14 = arith.constant 1 : index
    %get3A_15 = arith.constant 0 : index
    %get3A_16 = arith.constant 0 : index
    %get3A_17 = vector.load %arg2[%get3A_14, %get3A_15, %get3A_16] : memref<2x5120x16xf32, #tpu.memory_space<vmem>>, vector<1x5120x16xf32>
    %get3A_18 = vector.shape_cast %get3A_17 : vector<1x5120x16xf32> to vector<5120x16xf32>
    %add3A = arith.addf %get3A_13, %get3A_18 : vector<5120x16xf32>
    %max3A = arith.constant 1.000000e+00 : f32
    %max3A_19 = vector.broadcast %max3A : f32 to vector<5120x16xf32>
    %max3A_20 = arith.maximumf %add3A, %max3A_19 : vector<5120x16xf32>
    %slice3A = vector.extract_strided_slice %max3A_20 {offsets = [0, 0], sizes = [5120, 1], strides = [1, 1]} : vector<5120x16xf32> to vector<5120x1xf32>
    %div3A = vector.broadcast %slice3A : vector<5120x1xf32> to vector<5120x128xf32>
    %div3A_21 = arith.divf %convert_element_type3A, %div3A : vector<5120x128xf32>
    %get3A_22 = arith.constant 0 : index
    %get3A_23 = arith.constant 0 : index
    %get3A_24 = vector.load %arg3[%get3A_22, %get3A_23] : memref<5120x128xf32, #tpu.memory_space<vmem>>, vector<5120x128xf32>
    %add3A_25 = arith.addf %div3A_21, %get3A_24 : vector<5120x128xf32>
    %max3A_26 = arith.constant 0.000000e+00 : f32
    %max3A_27 = vector.broadcast %max3A_26 : f32 to vector<5120x128xf32>
    %max3A_28 = arith.maximumf %add3A_25, %max3A_27 : vector<5120x128xf32>
    %mul3A = arith.mulf %max3A_28, %max3A_28 : vector<5120x128xf32>
    %reduce_sum3A = arith.constant dense<0.000000e+00> : vector<5120xf32>
    %reduce_sum3A_29 = vector.multi_reduction <add>, %mul3A, %reduce_sum3A [1] : vector<5120x128xf32> to vector<5120xf32>
    %broadcast_in_dim3A = vector.shape_cast %reduce_sum3A_29 : vector<5120xf32> to vector<5120x1xf32>
    %sqrt3A = math.sqrt %broadcast_in_dim3A : vector<5120x1xf32>
    %max3A_30 = arith.constant 9.99999996E-13 : f32
    %max3A_31 = vector.broadcast %max3A_30 : f32 to vector<5120x1xf32>
    %max3A_32 = arith.maximumf %sqrt3A, %max3A_31 : vector<5120x1xf32>
    %div3A_33 = vector.broadcast %max3A_32 : vector<5120x1xf32> to vector<5120x128xf32>
    %div3A_34 = arith.divf %max3A_28, %div3A_33 : vector<5120x128xf32>
    %get3A_35 = arith.constant 0 : index
    %get3A_36 = arith.constant 0 : index
    %get3A_37 = vector.load %arg4[%get3A_35, %get3A_36] : memref<128x128xf32, #tpu.memory_space<vmem>>, vector<128x128xf32>
    %dot_general3A = arith.constant dense<0.000000e+00> : vector<5120x128xf32>
    %dot_general3A_38 = tpu.matmul %div3A_34, %get3A_37, %dot_general3A {dimension_numbers = #tpu.dot_dimension_numbers<[1], [0], [0], [1], [0, 0, 1, 1], [], []>, transpose_lhs_hint = false} : vector<5120x128xf32>, vector<128x128xf32>, vector<5120x128xf32> -> vector<5120x128xf32>
    %convert_element_type3A_39 = arith.truncf %dot_general3A_38 : vector<5120x128xf32> to vector<5120x128xbf16>
    %slice3A_40 = vector.extract_strided_slice %convert_element_type3A_39 {offsets = [0, 0], sizes = [5120, 64], strides = [1, 1]} : vector<5120x128xbf16> to vector<5120x64xbf16>
    %swap3A = arith.constant 0 : index
    %swap3A_41 = arith.constant 0 : index
    %swap3A_42 = arith.constant 0 : index
    %swap3A_43 = vector.load %arg7[%swap3A, %swap3A_41, %swap3A_42] : memref<2x5120x64xbf16, #tpu.memory_space<vmem>>, vector<1x5120x64xbf16>
    %swap3A_44 = vector.shape_cast %swap3A_43 : vector<1x5120x64xbf16> to vector<5120x64xbf16>
    %swap3A_45 = vector.shape_cast %slice3A_40 : vector<5120x64xbf16> to vector<1x5120x64xbf16>
    tpu.vector_store %arg7[%swap3A, %swap3A_41, %swap3A_42], %swap3A_45 {strides = array<i32>} : memref<2x5120x64xbf16, #tpu.memory_space<vmem>>, vector<1x5120x64xbf16>,
    %slice3A_46 = vector.extract_strided_slice %convert_element_type3A_39 {offsets = [0, 64], sizes = [5120, 64], strides = [1, 1]} : vector<5120x128xbf16> to vector<5120x64xbf16>
    %swap3A_47 = arith.constant 1 : index
    %swap3A_48 = arith.constant 0 : index
    %swap3A_49 = arith.constant 0 : index
    %swap3A_50 = vector.load %arg7[%swap3A_47, %swap3A_48, %swap3A_49] : memref<2x5120x64xbf16, #tpu.memory_space<vmem>>, vector<1x5120x64xbf16>
    %swap3A_51 = vector.shape_cast %swap3A_50 : vector<1x5120x64xbf16> to vector<5120x64xbf16>
    %swap3A_52 = vector.shape_cast %slice3A_46 : vector<5120x64xbf16> to vector<1x5120x64xbf16>
    tpu.vector_store %arg7[%swap3A_47, %swap3A_48, %swap3A_49], %swap3A_52 {strides = array<i32>} : memref<2x5120x64xbf16, #tpu.memory_space<vmem>>, vector<1x5120x64xbf16>,
    %get3A_53 = arith.constant 0 : index
    %get3A_54 = arith.constant 0 : index
    %get3A_55 = vector.load %arg5[%get3A_53, %get3A_54] : memref<128x128xf32, #tpu.memory_space<vmem>>, vector<128x128xf32>
    %dot_general3A_56 = arith.constant dense<0.000000e+00> : vector<5120x128xf32>
    %dot_general3A_57 = tpu.matmul %div3A_34, %get3A_55, %dot_general3A_56 {dimension_numbers = #tpu.dot_dimension_numbers<[1], [0], [0], [1], [0, 0, 1, 1], [], []>, transpose_lhs_hint = false} : vector<5120x128xf32>, vector<128x128xf32>, vector<5120x128xf32> -> vector<5120x128xf32>
    %get3A_58 = arith.constant 0 : index
    %get3A_59 = arith.constant 0 : index
    %get3A_60 = vector.load %arg6[%get3A_58, %get3A_59] : memref<1x128xf32, #tpu.memory_space<vmem>>, vector<1x128xf32>
    %add3A_61 = vector.broadcast %get3A_60 : vector<1x128xf32> to vector<5120x128xf32>
    %add3A_62 = arith.addf %dot_general3A_57, %add3A_61 : vector<5120x128xf32>
    %swap3A_63 = arith.constant 0 : index
    %swap3A_64 = arith.constant 0 : index
    %swap3A_65 = vector.load %arg8[%swap3A_63, %swap3A_64] : memref<5120x128xf32, #tpu.memory_space<vmem>>, vector<5120x128xf32>
    tpu.vector_store %arg8[%swap3A_63, %swap3A_64], %add3A_62 {strides = array<i32>} : memref<5120x128xf32, #tpu.memory_space<vmem>>, vector<5120x128xf32>,
    %swap3A_66 = arith.constant 0 : index
    %swap3A_67 = arith.constant 0 : index
    %swap3A_68 = vector.load %arg9[%swap3A_66, %swap3A_67] : memref<5120x16xf32, #tpu.memory_space<vmem>>, vector<5120x16xf32>
    tpu.vector_store %arg9[%swap3A_66, %swap3A_67], %max3A_20 {strides = array<i32>} : memref<5120x16xf32, #tpu.memory_space<vmem>>, vector<5120x16xf32>,
    return
  }
  func.func @transform_0(%arg0: i32) -> (i32, i32, i32) {
    %c0_i32 = arith.constant 0 : i32
    %c0_i32_0 = arith.constant 0 : i32
    %c0_i32_1 = arith.constant 0 : i32
    return %c0_i32, %arg0, %c0_i32_0 : i32, i32, i32
  }
  func.func @transform_1(%arg0: i32) -> (i32, i32, i32) {
    %c0_i32 = arith.constant 0 : i32
    %c0_i32_0 = arith.constant 0 : i32
    %c0_i32_1 = arith.constant 0 : i32
    return %c0_i32, %arg0, %c0_i32_0 : i32, i32, i32
  }
  func.func @transform_2(%arg0: i32) -> (i32, i32) {
    %c0_i32 = arith.constant 0 : i32
    %c0_i32_0 = arith.constant 0 : i32
    return %arg0, %c0_i32 : i32, i32
  }
  func.func @transform_3(%arg0: i32) -> (i32, i32) {
    %c0_i32 = arith.constant 0 : i32
    %c0_i32_0 = arith.constant 0 : i32
    %c0_i32_1 = arith.constant 0 : i32
    return %c0_i32, %c0_i32_0 : i32, i32
  }
  func.func @transform_4(%arg0: i32) -> (i32, i32) {
    %c0_i32 = arith.constant 0 : i32
    %c0_i32_0 = arith.constant 0 : i32
    %c0_i32_1 = arith.constant 0 : i32
    return %c0_i32, %c0_i32_0 : i32, i32
  }
  func.func @transform_5(%arg0: i32) -> (i32, i32) {
    %c0_i32 = arith.constant 0 : i32
    %c0_i32_0 = arith.constant 0 : i32
    %c0_i32_1 = arith.constant 0 : i32
    return %c0_i32, %c0_i32_0 : i32, i32
  }
  func.func @transform_6(%arg0: i32) -> (i32, i32, i32) {
    %c0_i32 = arith.constant 0 : i32
    %c0_i32_0 = arith.constant 0 : i32
    %c0_i32_1 = arith.constant 0 : i32
    return %c0_i32, %arg0, %c0_i32_0 : i32, i32, i32
  }
  func.func @transform_7(%arg0: i32) -> (i32, i32) {
    %c0_i32 = arith.constant 0 : i32
    %c0_i32_0 = arith.constant 0 : i32
    return %arg0, %c0_i32 : i32, i32
  }
  func.func @transform_8(%arg0: i32) -> (i32, i32) {
    %c0_i32 = arith.constant 0 : i32
    %c0_i32_0 = arith.constant 0 : i32
    return %arg0, %c0_i32 : i32, i32
  }
}

module attributes {stable_mosaic.version = 14 : i64} {
  func.func @_tc_fin_body(%arg0: i32, %arg1: memref<2x5120x64xbf16, #tpu.memory_space<vmem>>, %arg2: memref<5120x16xf32, #tpu.memory_space<vmem>>, %arg3: memref<5120x128xf32, #tpu.memory_space<vmem>>, %arg4: memref<5120x1xi32, #tpu.memory_space<vmem>>, %arg5: memref<16x64xf32, #tpu.memory_space<vmem>>, %arg6: memref<64x128xf32, #tpu.memory_space<vmem>>, %arg7: memref<1x128xf32, #tpu.memory_space<vmem>>, %arg8: memref<256x1xf32, #tpu.memory_space<vmem>>, %arg9: memref<1x1xf32, #tpu.memory_space<vmem>>, %arg10: memref<16x1xf32, #tpu.memory_space<vmem>>, %arg11: memref<16x128xf32, #tpu.memory_space<vmem>>, %arg12: memref<16x1xf32, #tpu.memory_space<vmem>>) attributes {dimension_semantics = [#tpu.dimension_semantics<arbitrary>], iteration_bounds = array<i64: 2>, scalar_prefetch = 0 : i64, scratch_operands = 2 : i64, tpu.core_type = #tpu.core_type<tc>, window_params = [{transform_indices = @transform_0, window_bounds = array<i64: 2, 5120, 64>}, {transform_indices = @transform_1, window_bounds = array<i64: 5120, 16>}, {transform_indices = @transform_2, window_bounds = array<i64: 5120, 128>}, {transform_indices = @transform_3, window_bounds = array<i64: 5120, 1>}, {pipeline_mode = #tpu.pipeline_mode<synchronous>, transform_indices = @transform_4, window_bounds = array<i64: 16, 64>}, {pipeline_mode = #tpu.pipeline_mode<synchronous>, transform_indices = @transform_5, window_bounds = array<i64: 64, 128>}, {pipeline_mode = #tpu.pipeline_mode<synchronous>, transform_indices = @transform_6, window_bounds = array<i64: 1, 128>}, {pipeline_mode = #tpu.pipeline_mode<synchronous>, transform_indices = @transform_7, window_bounds = array<i64: 256, 1>}, {pipeline_mode = #tpu.pipeline_mode<synchronous>, transform_indices = @transform_8, window_bounds = array<i64: 1, 1>}, {pipeline_mode = #tpu.pipeline_mode<synchronous>, transform_indices = @transform_9, window_bounds = array<i64: 16, 1>}]} {
    %get3A = arith.constant 0 : index
    %get3A_0 = arith.constant 0 : index
    %get3A_1 = arith.constant 0 : index
    %get3A_2 = vector.load %arg1[%get3A, %get3A_0, %get3A_1] : memref<2x5120x64xbf16, #tpu.memory_space<vmem>>, vector<1x5120x64xbf16>
    %get3A_3 = vector.shape_cast %get3A_2 : vector<1x5120x64xbf16> to vector<5120x64xbf16>
    %get3A_4 = arith.constant 1 : index
    %get3A_5 = arith.constant 0 : index
    %get3A_6 = arith.constant 0 : index
    %get3A_7 = vector.load %arg1[%get3A_4, %get3A_5, %get3A_6] : memref<2x5120x64xbf16, #tpu.memory_space<vmem>>, vector<1x5120x64xbf16>
    %get3A_8 = vector.shape_cast %get3A_7 : vector<1x5120x64xbf16> to vector<5120x64xbf16>
    %concatenate3A = tpu.concatenate %get3A_3, %get3A_8 in 1 : vector<5120x64xbf16>, vector<5120x64xbf16> -> vector<5120x128xbf16>
    %convert_element_type3A = arith.extf %concatenate3A : vector<5120x128xbf16> to vector<5120x128xf32>
    %get3A_9 = arith.constant 0 : index
    %get3A_10 = arith.constant 0 : index
    %get3A_11 = vector.load %arg2[%get3A_9, %get3A_10] : memref<5120x16xf32, #tpu.memory_space<vmem>>, vector<5120x1xf32>
    %div3A = vector.broadcast %get3A_11 : vector<5120x1xf32> to vector<5120x128xf32>
    %div3A_12 = arith.divf %convert_element_type3A, %div3A : vector<5120x128xf32>
    %get3A_13 = arith.constant 0 : index
    %get3A_14 = arith.constant 0 : index
    %get3A_15 = vector.load %arg3[%get3A_13, %get3A_14] : memref<5120x128xf32, #tpu.memory_space<vmem>>, vector<5120x128xf32>
    %add3A = arith.addf %div3A_12, %get3A_15 : vector<5120x128xf32>
    %mul3A = arith.mulf %add3A, %add3A : vector<5120x128xf32>
    %reduce_sum3A = arith.constant dense<0.000000e+00> : vector<5120xf32>
    %reduce_sum3A_16 = vector.multi_reduction <add>, %mul3A, %reduce_sum3A [1] : vector<5120x128xf32> to vector<5120xf32>
    %broadcast_in_dim3A = vector.shape_cast %reduce_sum3A_16 : vector<5120xf32> to vector<5120x1xf32>
    %sqrt3A = math.sqrt %broadcast_in_dim3A : vector<5120x1xf32>
    %max3A = arith.constant 9.99999996E-13 : f32
    %max3A_17 = vector.broadcast %max3A : f32 to vector<5120x1xf32>
    %max3A_18 = arith.maximumf %sqrt3A, %max3A_17 : vector<5120x1xf32>
    %div3A_19 = vector.broadcast %max3A_18 : vector<5120x1xf32> to vector<5120x128xf32>
    %div3A_20 = arith.divf %add3A, %div3A_19 : vector<5120x128xf32>
    %iota3A = tpu.iota {dimensions = array<i32: 1>} : vector<5120x16xi32>
    %get3A_21 = arith.constant 0 : index
    %get3A_22 = arith.constant 0 : index
    %get3A_23 = vector.load %arg4[%get3A_21, %get3A_22] : memref<5120x1xi32, #tpu.memory_space<vmem>>, vector<5120x1xi32>
    %eq3A = vector.broadcast %get3A_23 : vector<5120x1xi32> to vector<5120x16xi32>
    %eq3A_24 = arith.cmpi eq, %eq3A, %iota3A : vector<5120x16xi32>
    %convert_element_type3A_25 = arith.extui %eq3A_24 : vector<5120x16xi1> to vector<5120x16xi32>
    %convert_element_type3A_26 = arith.sitofp %convert_element_type3A_25 : vector<5120x16xi32> to vector<5120x16xf32>
    %dot_general3A = arith.constant dense<0.000000e+00> : vector<16x128xf32>
    %dot_general3A_27 = tpu.matmul %convert_element_type3A_26, %div3A_20, %dot_general3A {dimension_numbers = #tpu.dot_dimension_numbers<[0], [0], [1], [1], [0, 1, 1, 1], [], []>, transpose_lhs_hint = false} : vector<5120x16xf32>, vector<5120x128xf32>, vector<16x128xf32> -> vector<16x128xf32>
    %broadcast_in_dim3A_28 = arith.constant 1.000000e+00 : f32
    %broadcast_in_dim3A_29 = vector.broadcast %broadcast_in_dim3A_28 : f32 to vector<5120x1xf32>
    %dot_general3A_30 = arith.constant dense<0.000000e+00> : vector<16x1xf32>
    %dot_general3A_31 = tpu.matmul %convert_element_type3A_26, %broadcast_in_dim3A_29, %dot_general3A_30 {dimension_numbers = #tpu.dot_dimension_numbers<[0], [0], [1], [1], [0, 1, 1, 1], [], []>, transpose_lhs_hint = false} : vector<5120x16xf32>, vector<5120x1xf32>, vector<16x1xf32> -> vector<16x1xf32>
    %eq3A_32 = arith.constant 0 : i32
    %eq3A_33 = arith.cmpi eq, %arg0, %eq3A_32 : i32
    %convert_element_type3A_34 = arith.extui %eq3A_33 : i1 to i32
    %cond3A = arith.constant 0 : i32
    %cond3A_35 = arith.cmpi ne, %convert_element_type3A_34, %cond3A : i32
    scf.if %cond3A_35 {
      %broadcast_in_dim3A_54 = arith.constant 0.000000e+00 : f32
      %broadcast_in_dim3A_55 = vector.broadcast %broadcast_in_dim3A_54 : f32 to vector<16x128xf32>
      %swap3A_56 = arith.constant 0 : index
      %swap3A_57 = arith.constant 0 : index
      %swap3A_58 = vector.load %arg11[%swap3A_56, %swap3A_57] : memref<16x128xf32, #tpu.memory_space<vmem>>, vector<16x128xf32>
      tpu.vector_store %arg11[%swap3A_56, %swap3A_57], %broadcast_in_dim3A_55 {strides = array<i32>} : memref<16x128xf32, #tpu.memory_space<vmem>>, vector<16x128xf32>,
      %broadcast_in_dim3A_59 = arith.constant 0.000000e+00 : f32
      %broadcast_in_dim3A_60 = vector.broadcast %broadcast_in_dim3A_59 : f32 to vector<16x1xf32>
      %swap3A_61 = arith.constant 0 : index
      %swap3A_62 = arith.constant 0 : index
      %swap3A_63 = vector.load %arg12[%swap3A_61, %swap3A_62] : memref<16x1xf32, #tpu.memory_space<vmem>>, vector<16x1xf32>
      tpu.vector_store %arg12[%swap3A_61, %swap3A_62], %broadcast_in_dim3A_60 {strides = array<i32>} : memref<16x1xf32, #tpu.memory_space<vmem>>, vector<16x1xf32>,
    } else {
    }
    %get3A_36 = arith.constant 0 : index
    %get3A_37 = arith.constant 0 : index
    %get3A_38 = vector.load %arg11[%get3A_36, %get3A_37] : memref<16x128xf32, #tpu.memory_space<vmem>>, vector<16x128xf32>
    %add3A_39 = arith.addf %get3A_38, %dot_general3A_27 : vector<16x128xf32>
    %swap3A = arith.constant 0 : index
    %swap3A_40 = arith.constant 0 : index
    %swap3A_41 = vector.load %arg11[%swap3A, %swap3A_40] : memref<16x128xf32, #tpu.memory_space<vmem>>, vector<16x128xf32>
    tpu.vector_store %arg11[%swap3A, %swap3A_40], %add3A_39 {strides = array<i32>} : memref<16x128xf32, #tpu.memory_space<vmem>>, vector<16x128xf32>,
    %get3A_42 = arith.constant 0 : index
    %get3A_43 = arith.constant 0 : index
    %get3A_44 = vector.load %arg12[%get3A_42, %get3A_43] : memref<16x1xf32, #tpu.memory_space<vmem>>, vector<16x1xf32>
    %add3A_45 = arith.addf %get3A_44, %dot_general3A_31 : vector<16x1xf32>
    %swap3A_46 = arith.constant 0 : index
    %swap3A_47 = arith.constant 0 : index
    %swap3A_48 = vector.load %arg12[%swap3A_46, %swap3A_47] : memref<16x1xf32, #tpu.memory_space<vmem>>, vector<16x1xf32>
    tpu.vector_store %arg12[%swap3A_46, %swap3A_47], %add3A_45 {strides = array<i32>} : memref<16x1xf32, #tpu.memory_space<vmem>>, vector<16x1xf32>,
    %eq3A_49 = arith.constant 1 : i32
    %eq3A_50 = arith.cmpi eq, %arg0, %eq3A_49 : i32
    %convert_element_type3A_51 = arith.extui %eq3A_50 : i1 to i32
    %cond3A_52 = arith.constant 0 : i32
    %cond3A_53 = arith.cmpi ne, %convert_element_type3A_51, %cond3A_52 : i32
    scf.if %cond3A_53 {
      %get3A_54 = arith.constant 0 : index
      %get3A_55 = arith.constant 0 : index
      %get3A_56 = vector.load %arg11[%get3A_54, %get3A_55] : memref<16x128xf32, #tpu.memory_space<vmem>>, vector<16x128xf32>
      %get3A_57 = arith.constant 0 : index
      %get3A_58 = arith.constant 0 : index
      %get3A_59 = vector.load %arg12[%get3A_57, %get3A_58] : memref<16x1xf32, #tpu.memory_space<vmem>>, vector<16x1xf32>
      %max3A_60 = arith.constant 1.000000e+00 : f32
      %max3A_61 = vector.broadcast %max3A_60 : f32 to vector<16x1xf32>
      %max3A_62 = arith.maximumf %get3A_59, %max3A_61 : vector<16x1xf32>
      %div3A_63 = vector.broadcast %max3A_62 : vector<16x1xf32> to vector<16x128xf32>
      %div3A_64 = arith.divf %get3A_56, %div3A_63 : vector<16x128xf32>
      %get3A_65 = arith.constant 0 : index
      %get3A_66 = arith.constant 0 : index
      %get3A_67 = vector.load %arg5[%get3A_65, %get3A_66] : memref<16x64xf32, #tpu.memory_space<vmem>>, vector<16x64xf32>
      %get3A_68 = arith.constant 0 : index
      %get3A_69 = arith.constant 0 : index
      %get3A_70 = vector.load %arg6[%get3A_68, %get3A_69] : memref<64x128xf32, #tpu.memory_space<vmem>>, vector<64x128xf32>
      %dot_general3A_71 = arith.constant dense<0.000000e+00> : vector<16x128xf32>
      %dot_general3A_72 = tpu.matmul %get3A_67, %get3A_70, %dot_general3A_71 {dimension_numbers = #tpu.dot_dimension_numbers<[1], [0], [0], [1], [0, 0, 1, 1], [], []>, transpose_lhs_hint = false} : vector<16x64xf32>, vector<64x128xf32>, vector<16x128xf32> -> vector<16x128xf32>
      %get3A_73 = arith.constant 0 : index
      %get3A_74 = arith.constant 0 : index
      %get3A_75 = vector.load %arg7[%get3A_73, %get3A_74] : memref<1x128xf32, #tpu.memory_space<vmem>>, vector<1x128xf32>
      %add3A_76 = vector.broadcast %get3A_75 : vector<1x128xf32> to vector<16x128xf32>
      %add3A_77 = arith.addf %dot_general3A_72, %add3A_76 : vector<16x128xf32>
      %max3A_78 = arith.constant 0.000000e+00 : f32
      %max3A_79 = vector.broadcast %max3A_78 : f32 to vector<16x128xf32>
      %max3A_80 = arith.maximumf %add3A_77, %max3A_79 : vector<16x128xf32>
      %concatenate3A_81 = tpu.concatenate %div3A_64, %max3A_80 in 1 : vector<16x128xf32>, vector<16x128xf32> -> vector<16x256xf32>
      %get3A_82 = arith.constant 0 : index
      %get3A_83 = arith.constant 0 : index
      %get3A_84 = vector.load %arg8[%get3A_82, %get3A_83] : memref<256x1xf32, #tpu.memory_space<vmem>>, vector<256x1xf32>
      %dot_general3A_85 = arith.constant dense<0.000000e+00> : vector<16x1xf32>
      %dot_general3A_86 = tpu.matmul %concatenate3A_81, %get3A_84, %dot_general3A_85 {dimension_numbers = #tpu.dot_dimension_numbers<[1], [0], [0], [1], [0, 0, 1, 1], [], []>, transpose_lhs_hint = false} : vector<16x256xf32>, vector<256x1xf32>, vector<16x1xf32> -> vector<16x1xf32>
      %get3A_87 = arith.constant 0 : index
      %get3A_88 = arith.constant 0 : index
      %get3A_89 = vector.load %arg9[%get3A_87, %get3A_88] : memref<1x1xf32, #tpu.memory_space<vmem>>, vector<1x1xf32>
      %add3A_90 = vector.broadcast %get3A_89 : vector<1x1xf32> to vector<16x1xf32>
      %add3A_91 = arith.addf %dot_general3A_86, %add3A_90 : vector<16x1xf32>
      %swap3A_92 = arith.constant 0 : index
      %swap3A_93 = arith.constant 0 : index
      %swap3A_94 = vector.load %arg10[%swap3A_92, %swap3A_93] : memref<16x1xf32, #tpu.memory_space<vmem>>, vector<16x1xf32>
      tpu.vector_store %arg10[%swap3A_92, %swap3A_93], %add3A_91 {strides = array<i32>} : memref<16x1xf32, #tpu.memory_space<vmem>>, vector<16x1xf32>,
    } else {
    }
    return
  }
  func.func @transform_0(%arg0: i32) -> (i32, i32, i32) {
    %c0_i32 = arith.constant 0 : i32
    %c0_i32_0 = arith.constant 0 : i32
    %c0_i32_1 = arith.constant 0 : i32
    return %c0_i32, %arg0, %c0_i32_0 : i32, i32, i32
  }
  func.func @transform_1(%arg0: i32) -> (i32, i32) {
    %c0_i32 = arith.constant 0 : i32
    %c0_i32_0 = arith.constant 0 : i32
    return %arg0, %c0_i32 : i32, i32
  }
  func.func @transform_2(%arg0: i32) -> (i32, i32) {
    %c0_i32 = arith.constant 0 : i32
    %c0_i32_0 = arith.constant 0 : i32
    return %arg0, %c0_i32 : i32, i32
  }
  func.func @transform_3(%arg0: i32) -> (i32, i32) {
    %c0_i32 = arith.constant 0 : i32
    %c0_i32_0 = arith.constant 0 : i32
    return %arg0, %c0_i32 : i32, i32
  }
  func.func @transform_4(%arg0: i32) -> (i32, i32) {
    %c0_i32 = arith.constant 0 : i32
    %c0_i32_0 = arith.constant 0 : i32
    %c0_i32_1 = arith.constant 0 : i32
    return %c0_i32, %c0_i32_0 : i32, i32
  }
  func.func @transform_5(%arg0: i32) -> (i32, i32) {
    %c0_i32 = arith.constant 0 : i32
    %c0_i32_0 = arith.constant 0 : i32
    %c0_i32_1 = arith.constant 0 : i32
    return %c0_i32, %c0_i32_0 : i32, i32
  }
  func.func @transform_6(%arg0: i32) -> (i32, i32) {
    %c0_i32 = arith.constant 0 : i32
    %c0_i32_0 = arith.constant 0 : i32
    %c0_i32_1 = arith.constant 0 : i32
    return %c0_i32, %c0_i32_0 : i32, i32
  }
  func.func @transform_7(%arg0: i32) -> (i32, i32) {
    %c0_i32 = arith.constant 0 : i32
    %c0_i32_0 = arith.constant 0 : i32
    %c0_i32_1 = arith.constant 0 : i32
    return %c0_i32, %c0_i32_0 : i32, i32
  }
  func.func @transform_8(%arg0: i32) -> (i32, i32) {
    %c0_i32 = arith.constant 0 : i32
    %c0_i32_0 = arith.constant 0 : i32
    %c0_i32_1 = arith.constant 0 : i32
    return %c0_i32, %c0_i32_0 : i32, i32
  }
  func.func @transform_9(%arg0: i32) -> (i32, i32) {
    %c0_i32 = arith.constant 0 : i32
    %c0_i32_0 = arith.constant 0 : i32
    %c0_i32_1 = arith.constant 0 : i32
    return %c0_i32, %c0_i32_0 : i32, i32
  }
}

</mosaic_0001>

<sc_bundles>
// kernel: kernel.10.cloned.1.call-start
scs
__scs_entry_jumppad:
0x0: {  	(pc) =	sbr.rel $0x88, $3  }
0x1: {  	(tag) =	ssettag $0x0;
	lr =	simm.s32 $0x1  }
0x2: {  	[smem:$0x3F93] =	sst lr;
	_ =	strace $0xD0000000  }
0x3: {  	_ = 	snop  }
0x4: {  	_ = 	snop  }
0x5: {  	_ = 	snop  }
0x6: {  	_ = 	snop  }
0x7: {  	_ = 	snop  }
__scs_overlays_trampoline_lowered:
0x8: {  	[smem:$0x3FA2] =	sst s0  }
0x9: {  	[smem:$0x3FA3] =	sst s1  }
0xa: {  	[smem:$0x3FA4] =	sst s2  }
0xb: {  	[smem:$0x3FA5] =	sst s3  }
0xc: {  	[smem:$0x3FA6] =	sst s4  }
0xd: {  	[smem:$0x3FA7] =	sst s5  }
0xe: {  	[smem:$0x3FA8] =	sst s6  }
0xf: {  	[smem:$0x3FA9] =	sst s7  }
0x10: {  	[smem:$0x3FAA] =	sst s8  }
0x11: {  	[smem:$0x3FAB] =	sst s9;
	s0 =	simm.s32 @!p0 $0x0  }
0x12: {  	s1 =	sld [smem:$0x3F91];
	s0 =	simm.s32 @p0 $0x1  }
0x13: {  	[smem:$0x3FAC] =	sst s0;
	s0 =	simm.s32 @!p1 $0x0  }
0x14: {  	s2 =	sld [smem:$0x3F90];
	s0 =	simm.s32 @p1 $0x1  }
0x15: {  	[smem:$0x3FAD] =	sst s0;
	s0 =	simm.s32 @!p2 $0x0  }
0x16: {  	s3 =	sld [smem:$0x3FDB];
	s0 =	simm.s32 @p2 $0x1  }
0x17: {  	s4 =	simm.s32 $0x1BF5;
	[smem:$0x3FAF] =	sst s0  }
0x18: {  	s0 =	sld [smem:$0x3F92];
	_ =	swait.ge [sflag:s4], $0x0  }
0x19: {  	s7 =	sld [smem:$0x3F93]  }
0x1a: {  	s8 =	sadd.s32 $0xFFFFE003, lr  }
0x1b: {  	s9 =	sadd.s32 $0xFFFFFEF7, lr;
	s5 =	simm.s32 $0xFFFFFFFF;
	p2 =	slt.u32 s8, $0xFFFFF086  }
0x1c: {  	p1 =	slt.u32 s9, $0xF7A;
	s5 =	simm.s32 @!p2 $0x0  }
0x1d: {  	s5 =	simm.s32 @p1 $0x1;
	p0 =	seq.s32 s7, s2  }
0x1e: {  	s7 =	smul.u32 @!p0 $0xF7A, s2;
	p2 =	seq.s32 @!p0 s5, $0x0  }
0x1f: {  	s9 =	smul.u32 $0xF7A, s1;
	s8 =	simm.s32 @!p0 $0x1BF5;
	p2 =	por !p2, p0  }
0x20: {  	[sflag:s8] =	ssyncset.s32 @!p0 $0xFFFFF086;
	s6 =	sadd.s32 @!p0 s3, s7;
	s7 =	simm.s32 @!p0 $0x108  }
0x21: {  	s3 =	sadd.s32 s3, s9;
	s6 =	sadd.s32 @!p0 $0x88, s6;
	s7 =	simm.s32 @p2 $0x1082  }
0x22: {  	[simem:s7], [sflag:s8] =	dma.local @!p0 [hbm:s6], $0xF7A  }
0x23: {  	s9 =	sor.u32 $0xD0000000, s2;
	s6 =	simm.s32 $0x108;
	_ =	swait.ge @!p0 [sflag:s8], $0x0  }
0x24: {  	s3 =	sadd.s32 $0x88, s3;
	s6 =	simm.s32 @!p1 $0x1082;
	[sflag:s4] =	ssyncset.s32 $0xFFFFF086  }
0x25: {  	[simem:s6], [sflag:s4] =	dma.local [hbm:s3], $0xF7A  }
0x26: {  	[smem:$0x3F93] =	sst s1;
	(tag) =	ssettag s2;
	_ =	strace s9  }
0x27: {  	s1 =	sld [smem:$0x3FA3]  }
0x28: {  	s2 =	sld [smem:$0x3FA4]  }
0x29: {  	s4 =	sld [smem:$0x3FA6]  }
0x2a: {  	p0 =	seq.s32 s5, $0x0;
	s5 =	sld [smem:$0x3FA7]  }
0x2b: {  	s6 =	sld [smem:$0x3FA8]  }
0x2c: {  	s7 =	sld [smem:$0x3FA9]  }
0x2d: {  	s3 =	simm.s32 $0x108;
	s8 =	sld [smem:$0x3FAA]  }
0x2e: {  	s3 =	simm.s32 @!p0 $0x1082;
	s9 =	sld [smem:$0x3FAB]  }
0x2f: {  	lr =	sadd.s32 s0, s3;
	s0 =	sld [smem:$0x3FA2]  }
0x30: {  	s3 =	sld [smem:$0x3FA5]  }
0x31: {  	[smem:$0x3FAE] =	sst s10  }
0x32: {  	s10 =	sld [smem:$0x3FAC];
	_ =	sdelay $0x3  }
0x33: {  	p0 =	seq.s32 s10, $0x1;
	s10 =	sld [smem:$0x3FAE];
	_ =	sdelay $0x3  }
0x34: {  	[smem:$0x3FAE] =	sst s10  }
0x35: {  	s10 =	sld [smem:$0x3FAD];
	_ =	sdelay $0x3  }
0x36: {  	p1 =	seq.s32 s10, $0x1;
	s10 =	sld [smem:$0x3FAE];
	_ =	sdelay $0x3  }
0x37: {  	[smem:$0x3FAE] =	sst s10  }
0x38: {  	s10 =	sld [smem:$0x3FAF]  }
0x39: {  	_ = 	snop;
	(pc) =	sbr.ind lr, $3  }
0x3a: {  	_ = 	snop  }
0x3b: {  	_ = 	snop  }
0x3c: {  	p2 =	seq.s32 s10, $0x1;
	s10 =	sld [smem:$0x3FAE]  }
0x3d: {  	_ =	shalt  }
0x3e: {  	_ =	shalt  }
0x3f: {  	_ =	shalt  }
0x40: {  	_ =	shalt  }
0x41: {  	_ =	shalt  }
0x42: {  	_ =	shalt  }
0x43: {  	_ =	shalt  }
0x44: {  	_ =	shalt  }
0x45: {  	_ =	shalt  }
0x46: {  	_ =	shalt  }
0x47: {  	_ =	shalt  }
0x48: {  	_ =	shalt  }
0x49: {  	_ =	shalt  }
0x4a: {  	_ =	shalt  }
0x4b: {  	_ =	shalt  }
0x4c: {  	_ =	shalt  }
0x4d: {  	_ =	shalt  }
0x4e: {  	_ =	shalt  }
0x4f: {  	_ =	shalt  }
0x50: {  	_ =	shalt  }
0x51: {  	_ =	shalt  }
0x52: {  	_ =	shalt  }
0x53: {  	_ =	shalt  }
0x54: {  	_ =	shalt  }
0x55: {  	_ =	shalt  }
0x56: {  	_ =	shalt  }
0x57: {  	_ =	shalt  }
0x58: {  	_ =	shalt  }
0x59: {  	_ =	shalt  }
0x5a: {  	_ =	shalt  }
0x5b: {  	_ =	shalt  }
0x5c: {  	_ =	shalt  }
0x5d: {  	_ =	shalt  }
0x5e: {  	_ =	shalt  }
0x5f: {  	_ =	shalt  }
0x60: {  	_ =	shalt  }
0x61: {  	_ =	shalt  }
0x62: {  	_ =	shalt  }
0x63: {  	_ =	shalt  }
0x64: {  	_ =	shalt  }
0x65: {  	_ =	shalt  }
0x66: {  	_ =	shalt  }
0x67: {  	_ =	shalt  }
0x68: {  	_ =	shalt  }
0x69: {  	_ =	shalt  }
0x6a: {  	_ =	shalt  }
0x6b: {  	_ =	shalt  }
0x6c: {  	_ =	shalt  }
0x6d: {  	_ =	shalt  }
0x6e: {  	_ =	shalt  }
0x6f: {  	_ =	shalt  }
0x70: {  	_ =	shalt  }
0x71: {  	_ =	shalt  }
0x72: {  	_ =	shalt  }
0x73: {  	_ =	shalt  }
0x74: {  	_ =	shalt  }
0x75: {  	_ =	shalt  }
0x76: {  	_ =	shalt  }
0x77: {  	_ =	shalt  }
0x78: {  	_ =	shalt  }
0x79: {  	_ =	shalt  }
0x7a: {  	_ =	shalt  }
0x7b: {  	_ =	shalt  }
0x7c: {  	_ =	shalt  }
0x7d: {  	_ =	shalt  }
0x7e: {  	_ =	shalt  }
0x7f: {  	_ =	shalt  }
0x80: {  	_ =	shalt  }
0x81: {  	_ =	shalt  }
0x82: {  	_ =	shalt  }
0x83: {  	_ =	shalt  }
0x84: {  	_ =	shalt  }
0x85: {  	_ =	shalt  }
0x86: {  	_ =	shalt  }
0x87: {  	_ =	shalt  }
.Lfunc_end0:
.L_simem_size_0:
called_computation.1_lowered:
.L_overlay_start_0:
0x88: {  	s2 =	sld [smem:$0x3FD9]  }
0x89: {  	s3 =	sld [smem:$0x3FFE];
	_ =	sdelay $0x1  }
0x8a: {  	s1 =	srdreg.scid  }
0x8b: {  	s0 =	sand.u32 $0x1, s1  }
0x8c: {  	s16 =	sshll.u32 s0, $0xA;
	s2 =	sadd.s32 s3, s2  }
0x8d: {  	s2 =	sadd.s32 s2, s16  }
0x8e: {  	[smem:$0x3FBA] =	sst s2  }
0x8f: {  	_ = 	snop  }
0x90: {  	(tm) =	ssettm $0x1  }
0x91: {  	s17 =	sld [smem:$0x3FFB];
	_ =	sdelay $0x3  }
0x92: {  	_ =	strace s17  }
0x93: {  	s2 =	sld [smem:$0x3FFC];
	_ =	sdelay $0x3  }
0x94: {  	_ =	strace s2  }
0x95: {  	s2 =	sld [smem:$0x3FFD];
	_ =	sdelay $0x3  }
0x96: {  	_ =	strace s2  }
0x97: {  	_ =	strace $0x8FFFFFFF  }
0x98: {  	s18 =	sld [smem:$0x3FDB];
	_ =	sdelay $0x1  }
0x99: {  	s19 =	simm.s32 $_scs_section_size  }
0x9a: {  	s4 =	simm.s32 $_size__tile_overlayer_lowered;
	s5 =	simm.s32 $_tile_overlayer_lowered  }
0x9b: {  	s22 =	simm.s32 $0x1BFF;
	s21 =	sshll.u32 s5, $0x1;
	s2 =	sadd.s32 s19, s18  }
0x9c: {  	s6 =	simm.s32 $0x0;
	s20 =	sshll.u32 s4, $0x1;
	s4 =	sadd.s32 s21, s2  }
0x9d: {  	[timem:s6], [sflag:s22] =	dma.local [hbm:s4], s20  }
0x9e: {  	_ =	swait.ge [sflag:s22], s20  }
0x9f: {  	s3 =	ssub.s32 $0x0, s20;
	[sflag:s22] =	ssyncset.done $0x0  }
0xa0: {  	[sflag:s22] =	ssyncadd.s32 s3;
	_ =	sdelay $0x1  }
0xa1: {  	s23 =	simm.s32 $0x1B8B  }
0xa2: {  	_ =	swait.ge [sflag:s23], $0x1  }
0xa3: {  	[sflag:s23] =	ssyncset.done $0x0  }
0xa4: {  	s25 =	simm.s32 $0x1B8E;
	s24 =	sld [smem:$0x3FFE];
	[sflag:s23] =	ssyncadd.s32 $0xFFFFFFFF  }
0xa5: {  	s26 =	simm.s32 $execute0_lowered;
	[smem:$0x3FD2] =	sst s25  }
0xa6: {  	s4 =	sshll.u32 s26, $0x1;
	_ =	strace $0x80000049;
	[dreg:$0x1] =	wrdreg $0xFFFFFFFF  }
0xa7: {  	s28 =	simm.s32 $_size_execute0_lowered;
	s2 =	sadd.s32 s2, s4;
	[dreg:$0x0] =	wrdreg $0x0  }
0xa8: {  	s4 =	sshll.u32 s28, $0x1;
	[dreg:$0x2] =	wrdreg s2  }
0xa9: {  	[dreg:$0x3] =	wrdreg s4  }
0xaa: {  	[dreg:$0x4] =	wrdreg $0xC0  }
0xab: {  	_ =	task [dreg:s6], $0x5FFFF  }
0xac: {  	[dreg:$0x1] =	wrdreg $0xFFFFFFFF  }
0xad: {  	[dreg:$0x0] =	wrdreg $0x60  }
0xae: {  	[dreg:$0x2] =	wrdreg s24  }
0xaf: {  	[dreg:$0x3] =	wrdreg $0x120000  }
0xb0: {  	[dreg:$0x4] =	wrdreg $0x9  }
0xb1: {  	_ =	task.clear_ibuf [dreg:s6], $0x5FFFF;
	_ =	strace $0x90000049  }
0xb2: {  	s29 =	simm.s32 $0x9;
	_ =	strace $0x8000004B  }
0xb3: {  	_ =	swait.ge [sflag:s29], $0x1  }
0xb4: {  	[sflag:s29] =	ssyncadd.s32 $0xFFFFFFFF  }
0xb5: {  	_ =	strace $0x9000004B  }
0xb6: {  	_ =	sfence  }
0xb7: {  	s30 =	sld [smem:$0x0];
	_ =	sdelay $0x2  }
0xb8: {  	s31 =	sshll.u32 s1, $0xD;
	s1 =	sshrl.u32 s1, $0x2  }
0xb9: {  	s3 =	sand.u32 $0x4000, s31;
	s1 =	sadd.s32 s1, s30  }
0xba: {  	s0 =	sor.u32 s3, s0;
	s1 =	sshll.u32 s1, $0x11  }
0xbb: {  	s0 =	sor.u32 s1, s0  }
0xbc: {  	s0 =	sadd.s32 $0x8F2B, s0  }
0xbd: {  	[sflag:s0] =	ssyncadd.remote.s32 $0x1  }
0xbe: {  	_ =	sfence.sel $0xFFFF  }
0xbf: {  	[dreg:$0x0] =	wrdreg $0xFFFFFFFF;
	(pc) =	sbr.abs _section_cstart, $3  }
0xc0: {  	[dreg:$0x1] =	wrdreg $0xFFFFFFFF  }
0xc1: {  	_ =	task.clear_ibuf [dreg:s6], $0x2FFFF;
	_ =	strace $0x9FFFFFFF  }
0xc2: {  	(tm) =	ssettm $0x7FFFFFFF  }
0xc3: {  	_ =	shalt  }
tec
execute0_lowered:
.L_overlay_start_1:
0x0: {  	(tag) =	ssettag $0x1  }
0x1: {  	s0 =	srdreg.scid  }
0x2: {  	s14 =	stileid.u32;
	s1 =	rddreg [dreg:$0x0]  }
0x3: {  	s2 =	rddreg [dreg:$0x1];
	s3 =	simm.s32 $0x0;
	s11 =	simm.s32 $0x5000  }
0x4: {  	s12 =	simm.s32 $0x100;
	s13 =	simm.s32 $0xA000;
	s17 =	simm.s32 $0x1  }
0x5: {  	s19 =	simm.s32 $0xE000;
	s20 =	simm.s32 $0x2;
	s23 =	simm.s32 $0x10000  }
0x6: {  	s24 =	simm.s32 $0x3;
	s29 =	simm.s32 $0x4;
	s31 =	simm.s32 $0x6  }
0x7: {  	s18 =	simm.s32 $0x8;
	s21 =	simm.s32 $0x0;
	s5 =	smul.u32 $0x5000, s14  }
0x8: {  	s0 =	sand.u32 $0x1, s0;
	[smem:$0x7FF] =	sst s3;
	s7 =	smul.u32 $0xA000, s14  }
0x9: {  	s30 =	sshll.u32 s14, $0x6;
	s14 =	simm.s32 $0xC000;
	s4 =	smul.u32 $0x50000, s0  }
0xa: {  	_ =	strace $0x8000004A;
	s8 =	smul.u32 $0xA0000, s0;
	s0 =	ssub.s32 $0x2, s0  }
0xb: {  	s15 =	sor.u32 $0x1C09, s30;
	s28 =	sshrl.u32 s7, $0x4;
	s10 =	sshrl.u32 s0, $0x1  }
0xc: {  	s4 =	sadd.s32 s5, s4;
	s5 =	sshrl.u32 s5, $0x3;
	s26 =	sadd.s32 s7, s8  }
0xd: {  	s8 =	sadd.s32 s28, s1;
	s0 =	ssub.s32 s0, s10;
	s7 =	sshrl.u32 s7, $0x1  }
0xe: {  	s10 =	simm.s32 $0x9;
	s6 =	sshrl.u32 s4, $0x3;
	s4 =	sadd.s32 $0x16A00, s1  }
.Ltmp0:
0xf: {  	s9 =	sadd.s32 s5, s1;
	s5 =	sshrl.u32 s26, $0x4;
	(pc) =	sbr.rel .LBB2_1-.Ltmp0, $4  }
0x10: {  	s16 =	sadd.s32 s7, s2;
	s7 =	sadd.s32 $0x52A00, s8;
	s26 =	simm.s32 $0x5  }
0x11: {  	s6 =	sadd.s32 s6, s1;
	s1 =	sadd.s32 s5, s1;
	s16 =	sshrl.u32 s16, $0x3  }
0x12: {  	s5 =	sadd.s32 $0x2A00, s6;
	s6 =	sadd.s32 $0x5CA00, s9;
	s8 =	sadd.s32 $0x2AA00, s1  }
0x13: {  	s9 =	smax.u32 s0, $0x1;
	s1 =	simm.s32 $0x500;
	s0 =	simm.s32 $0x7  }
.LBB2_4:
0x14: {  	_ =	swait.ge [sflag:s29], $0x2000  }
0x15: {  	[sflag:s29] =	ssyncset.done $0x0  }
0x16: {  	[sflag:s29] =	ssyncadd.s32 $0xFFFFE000  }
0x17: {  	[spmem:s2] =	stream.indirect.scatter.add.bf16 [tilespmem:s23], [sflag:$0x8], $0x20, s28, s12, $0xb8;
	[tilespmem:$0x17000] =	vst v63  }
0x18: {  	_ =	swait.ge [sflag:s26], $0x2000  }
0x19: {  	[sflag:s26] =	ssyncset.done $0x0  }
0x1a: {  	[sflag:s26] =	ssyncadd.s32 $0xFFFFE000  }
0x1b: {  	_ =	swait.ge [sflag:s31], $0x2000  }
0x1c: {  	[sflag:s31] =	ssyncset.done $0x0  }
0x1d: {  	[sflag:s31] =	ssyncadd.s32 $0xFFFFE000  }
0x1e: {  	_ =	swait.ge [sflag:s0], $0x2000  }
0x1f: {  	[sflag:s0] =	ssyncset.done $0x0  }
0x20: {  	[sflag:s0] =	ssyncadd.s32 $0xFFFFE000  }
0x21: {  	_ =	swait.ge [sflag:s18], $0x2000  }
0x22: {  	s21 =	sadd.s32 $0x1, s21;
	[sflag:s18] =	ssyncset.done $0x0  }
0x23: {  	p0 =	sne.s32 s21, s9;
	[sflag:s18] =	ssyncadd.s32 $0xFFFFE000  }
.Ltmp1:
0x24: {  	[bflag:$0x0] =	sbarrier.arrive $0xFFFF;
	(pc) =	sbr.rel @!p0 .LBB2_5-.Ltmp1, $4  }
0x25: {  	[hbm:s8], [sflag:s15] =	dma.local [spmem:s16], $0xA00  }
0x26: {  	_ =	swait.ge [sflag:s10], $0xA00  }
0x27: {  	[sflag:s10] =	ssyncset.done $0x0  }
0x28: {  	[sflag:s10] =	ssyncadd.s32 $0xFFFFF600  }
.LBB2_1:
0x29: {  	[tilespmem:s3], [sflag:$0x9] =	stream.linear.gather [hbm4b:s5+s3], $0x5000, $0x38;
	[tilespmem:$0x17000] =	vst v63  }
0x2a: {  	_ =	swait.ge [sflag:s10], $0x5000  }
0x2b: {  	[sflag:s10] =	ssyncset.done $0x0  }
0x2c: {  	[sflag:s10] =	ssyncadd.s32 $0xFFFFB000  }
0x2d: {  	[tilespmem:s11], [sflag:$0x9] =	stream.linear.gather [hbm4b:s6+s3], $0x5000, $0x38;
	[tilespmem:$0x17000] =	vst v63  }
0x2e: {  	_ =	swait.ge [sflag:s10], $0x5000  }
0x2f: {  	[sflag:s10] =	ssyncset.done $0x0  }
0x30: {  	[sflag:s10] =	ssyncadd.s32 $0xFFFFB000  }
0x31: {  	[tilespmem:s13], [sflag:$0x1] =	stream.indirect.gather [hbm4b:s4+s12], $0x20, s3, s12, $0xb8;
	[tilespmem:$0x17000] =	vst v63  }
0x32: {  	_ = 	snop  }
0x33: {  	[tilespmem:s14], [sflag:$0x2] =	stream.indirect.gather [hbm4b:s4+s12], $0x20, s12, s12, $0xb8;
	[tilespmem:$0x17000] =	vst v63  }
0x34: {  	[spmem:s16], [sflag:s15] =	dma.local [hbm:s7], $0xA00  }
0x35: {  	_ =	swait.ge [sflag:s10], $0xA00  }
0x36: {  	[sflag:s10] =	ssyncset.done $0x0  }
0x37: {  	[sflag:s10] =	ssyncadd.s32 $0xFFFFF600  }
0x38: {  	[bflag:$0x0] =	sbarrier.arrive $0xFFFF  }
0x39: {  	_ =	swait.ge [sflag:s17], $0x2000  }
0x3a: {  	[sflag:s17] =	ssyncset.done $0x0  }
0x3b: {  	[sflag:s17] =	ssyncadd.s32 $0xFFFFE000  }
0x3c: {  	[spmem:s2] =	stream.indirect.scatter.add.bf16 [tilespmem:s13], [sflag:$0x5], $0x20, s11, s12, $0xb8;
	[tilespmem:$0x17000] =	vst v63  }
0x3d: {  	s22 =	simm.s32 $0x200  }
0x3e: {  	[tilespmem:s19], [sflag:$0x3] =	stream.indirect.gather [hbm4b:s4+s12], $0x20, s22, s12, $0xb8;
	[tilespmem:$0x17000] =	vst v63  }
0x3f: {  	_ =	swait.ge [sflag:s20], $0x2000  }
0x40: {  	[sflag:s20] =	ssyncset.done $0x0  }
0x41: {  	s28 =	simm.s32 $0x5100;
	[sflag:s20] =	ssyncadd.s32 $0xFFFFE000  }
0x42: {  	[spmem:s2] =	stream.indirect.scatter.add.bf16 [tilespmem:s14], [sflag:$0x6], $0x20, s28, s12, $0xb8;
	[tilespmem:$0x17000] =	vst v63  }
0x43: {  	s30 =	simm.s32 $0x300  }
0x44: {  	[tilespmem:s23], [sflag:$0x4] =	stream.indirect.gather [hbm4b:s4+s12], $0x20, s30, s12, $0xb8;
	[tilespmem:$0x17000] =	vst v63  }
0x45: {  	_ =	swait.ge [sflag:s24], $0x2000  }
0x46: {  	[sflag:s24] =	ssyncset.done $0x0  }
0x47: {  	s25 =	simm.s32 $0x5200;
	[sflag:s24] =	ssyncadd.s32 $0xFFFFE000  }
0x48: {  	[spmem:s2] =	stream.indirect.scatter.add.bf16 [tilespmem:s19], [sflag:$0x7], $0x20, s25, s12, $0xb8;
	[tilespmem:$0x17000] =	vst v63  }
0x49: {  	_ =	swait.ge [sflag:s26], $0x2000  }
0x4a: {  	[sflag:s26] =	ssyncset.done $0x0  }
0x4b: {  	s28 =	simm.s32 $0x400;
	[sflag:s26] =	ssyncadd.s32 $0xFFFFE000  }
0x4c: {  	[tilespmem:s13], [sflag:$0x1] =	stream.indirect.gather [hbm4b:s4+s12], $0x20, s28, s12, $0xb8;
	[tilespmem:$0x17000] =	vst v63  }
0x4d: {  	_ =	swait.ge [sflag:s29], $0x2000  }
0x4e: {  	[sflag:s29] =	ssyncset.done $0x0  }
0x4f: {  	s30 =	simm.s32 $0x5300;
	[sflag:s29] =	ssyncadd.s32 $0xFFFFE000  }
0x50: {  	[spmem:s2] =	stream.indirect.scatter.add.bf16 [tilespmem:s23], [sflag:$0x8], $0x20, s30, s12, $0xb8;
	[tilespmem:$0x17000] =	vst v63  }
0x51: {  	_ =	swait.ge [sflag:s31], $0x2000  }
0x52: {  	[sflag:s31] =	ssyncset.done $0x0  }
0x53: {  	s22 =	simm.s32 $0x0;
	[sflag:s31] =	ssyncadd.s32 $0xFFFFE000  }
0x54: {  	[tilespmem:s14], [sflag:$0x2] =	stream.indirect.gather [hbm4b:s4+s12], $0x20, s1, s12, $0xb8;
	[tilespmem:$0x17000] =	vst v63  }
.LBB2_2:
0x55: {  	_ =	swait.ge [sflag:s17], $0x2000  }
0x56: {  	s25 =	sshra.s32 s22, $0x2;
	[sflag:s17] =	ssyncset.done $0x0  }
0x57: {  	s28 =	sadd.s32 $0x5400, s25;
	[sflag:s17] =	ssyncadd.s32 $0xFFFFE000  }
0x58: {  	[spmem:s2] =	stream.indirect.scatter.add.bf16 [tilespmem:s13], [sflag:$0x5], $0x20, s28, s12, $0xb8;
	[tilespmem:$0x17000] =	vst v63  }
0x59: {  	_ =	swait.ge [sflag:s0], $0x2000  }
0x5a: {  	[sflag:s0] =	ssyncset.done $0x0  }
0x5b: {  	s28 =	sadd.s32 $0x600, s25;
	[sflag:s0] =	ssyncadd.s32 $0xFFFFE000  }
0x5c: {  	[tilespmem:s19], [sflag:$0x3] =	stream.indirect.gather [hbm4b:s4+s12], $0x20, s28, s12, $0xb8;
	[tilespmem:$0x17000] =	vst v63  }
0x5d: {  	_ =	swait.ge [sflag:s20], $0x2000  }
0x5e: {  	[sflag:s20] =	ssyncset.done $0x0  }
0x5f: {  	s28 =	sadd.s32 $0x5500, s25;
	[sflag:s20] =	ssyncadd.s32 $0xFFFFE000  }
0x60: {  	[spmem:s2] =	stream.indirect.scatter.add.bf16 [tilespmem:s14], [sflag:$0x6], $0x20, s28, s12, $0xb8;
	[tilespmem:$0x17000] =	vst v63  }
0x61: {  	_ =	swait.ge [sflag:s18], $0x2000  }
0x62: {  	[sflag:s18] =	ssyncset.done $0x0  }
0x63: {  	p0 =	seq.s32 s22, $0x12000;
	s28 =	sadd.s32 $0x700, s25;
	[sflag:s18] =	ssyncadd.s32 $0xFFFFE000  }
0x64: {  	[tilespmem:s23], [sflag:$0x4] =	stream.indirect.gather [hbm4b:s4+s12], $0x20, s28, s12, $0xb8;
	[tilespmem:$0x17000] =	vst v63  }
.Ltmp2:
0x65: {  	_ =	swait.ge [sflag:s24], $0x2000;
	(pc) =	sbr.rel @p0 .LBB2_4-.Ltmp2, $4  }
0x66: {  	[sflag:s24] =	ssyncset.done $0x0  }
0x67: {  	s28 =	sadd.s32 $0x5600, s25;
	[sflag:s24] =	ssyncadd.s32 $0xFFFFE000  }
0x68: {  	[spmem:s2] =	stream.indirect.scatter.add.bf16 [tilespmem:s19], [sflag:$0x7], $0x20, s28, s12, $0xb8;
	[tilespmem:$0x17000] =	vst v63  }
0x69: {  	s28 =	sadd.s32 $0x5700, s25  }
0x6a: {  	_ =	swait.ge [sflag:s26], $0x2000  }
0x6b: {  	[sflag:s26] =	ssyncset.done $0x0  }
0x6c: {  	s30 =	sadd.s32 $0x800, s25;
	[sflag:s26] =	ssyncadd.s32 $0xFFFFE000  }
0x6d: {  	[tilespmem:s13], [sflag:$0x1] =	stream.indirect.gather [hbm4b:s4+s12], $0x20, s30, s12, $0xb8;
	[tilespmem:$0x17000] =	vst v63  }
0x6e: {  	_ =	swait.ge [sflag:s29], $0x2000  }
0x6f: {  	[sflag:s29] =	ssyncset.done $0x0  }
0x70: {  	[sflag:s29] =	ssyncadd.s32 $0xFFFFE000  }
0x71: {  	[spmem:s2] =	stream.indirect.scatter.add.bf16 [tilespmem:s23], [sflag:$0x8], $0x20, s28, s12, $0xb8;
	[tilespmem:$0x17000] =	vst v63  }
.Ltmp3:
0x72: {  	_ = 	snop;
	(pc) =	sbr.rel .LBB2_2-.Ltmp3, $4  }
0x73: {  	_ =	swait.ge [sflag:s31], $0x2000  }
0x74: {  	[sflag:s31] =	ssyncset.done $0x0  }
0x75: {  	s22 =	sadd.s32 $0x1000, s22;
	s30 =	sadd.s32 $0x900, s25;
	[sflag:s31] =	ssyncadd.s32 $0xFFFFE000  }
0x76: {  	[tilespmem:s14], [sflag:$0x2] =	stream.indirect.gather [hbm4b:s4+s12], $0x20, s30, s12, $0xb8;
	[tilespmem:$0x17000] =	vst v63  }
.LBB2_5:
0x77: {  	_ =	sfence.sel $0x180000  }
0x78: {  	[bflag:$0x0] =	sbarrier.arrive $0xFFFF  }
0x79: {  	_ =	strace $0x9000004A  }
0x7a: {  	s0 =	stileid.u32;
	[bflag:$0x2] =	sbarrier.arrive $0xFFFF  }
0x7b: {  	p0 =	sne.s32 s0, $0x0;
	s0 =	rddreg [dreg:$0x2]  }
0x7c: {  	s0 =	sadd.s32 @!p0 $0x100000, s0  }
0x7d: {  	[sflag:s0] =	ssyncadd.tile.s32 @!p0 $0x1;
	_ =	shalt  }
.Lfunc_end2:
_tile_overlayer_lowered:
.L_overlay_start_2:
0x7e: {  	(tag) =	ssettag $0x2  }
0x7f: {  	s0 =	rddreg [dreg:$0x0];
	s2 =	stileid.u32  }
0x80: {  	s1 =	rddreg [dreg:$0x1];
	p0 =	sne.s32 s2, $0x0  }
0x81: {  	s3 =	rddreg [dreg:$0x2];
	[bflag:$0x3] =	sbarrier.arrive $0xFFFF;
	s2 =	simm.s32 @!p0 $0x1C09  }
0x82: {  	[timem:s3], [sflag:s2] =	dma.local @!p0 [hbm:s0], s1  }
0x83: {  	s0 =	simm.s32 @!p0 $0x9  }
0x84: {  	_ =	swait.ge @!p0 [sflag:s0], s1  }
0x85: {  	s1 =	ssub.s32 @!p0 $0x0, s1;
	[sflag:s0] =	ssyncset.done @!p0 $0x0  }
0x86: {  	[sflag:s0] =	ssyncadd.s32 @!p0 s1  }
0x87: {  	[bflag:$0x3] =	sbarrier.arrive $0xFFFF  }
0x88: {  	_ =	shalt  }

// kernel: kernel.7.cloned.1.call-start
scs
__scs_entry_jumppad:
0x0: {  	(pc) =	sbr.rel $0x88, $3  }
0x1: {  	(tag) =	ssettag $0x0;
	lr =	simm.s32 $0x1  }
0x2: {  	[smem:$0x3F93] =	sst lr;
	_ =	strace $0xD0000000  }
0x3: {  	_ = 	snop  }
0x4: {  	_ = 	snop  }
0x5: {  	_ = 	snop  }
0x6: {  	_ = 	snop  }
0x7: {  	_ = 	snop  }
__scs_overlays_trampoline_lowered:
0x8: {  	[smem:$0x3FA2] =	sst s0  }
0x9: {  	[smem:$0x3FA3] =	sst s1  }
0xa: {  	[smem:$0x3FA4] =	sst s2  }
0xb: {  	[smem:$0x3FA5] =	sst s3  }
0xc: {  	[smem:$0x3FA6] =	sst s4  }
0xd: {  	[smem:$0x3FA7] =	sst s5  }
0xe: {  	[smem:$0x3FA8] =	sst s6  }
0xf: {  	[smem:$0x3FA9] =	sst s7  }
0x10: {  	[smem:$0x3FAA] =	sst s8  }
0x11: {  	[smem:$0x3FAB] =	sst s9;
	s0 =	simm.s32 @!p0 $0x0  }
0x12: {  	s1 =	sld [smem:$0x3F91];
	s0 =	simm.s32 @p0 $0x1  }
0x13: {  	[smem:$0x3FAC] =	sst s0;
	s0 =	simm.s32 @!p1 $0x0  }
0x14: {  	s2 =	sld [smem:$0x3F90];
	s0 =	simm.s32 @p1 $0x1  }
0x15: {  	[smem:$0x3FAD] =	sst s0;
	s0 =	simm.s32 @!p2 $0x0  }
0x16: {  	s3 =	sld [smem:$0x3FDB];
	s0 =	simm.s32 @p2 $0x1  }
0x17: {  	s4 =	simm.s32 $0x1BF5;
	[smem:$0x3FAF] =	sst s0  }
0x18: {  	s0 =	sld [smem:$0x3F92];
	_ =	swait.ge [sflag:s4], $0x0  }
0x19: {  	s7 =	sld [smem:$0x3F93]  }
0x1a: {  	s8 =	sadd.s32 $0xFFFFE003, lr  }
0x1b: {  	s9 =	sadd.s32 $0xFFFFFEF7, lr;
	s5 =	simm.s32 $0xFFFFFFFF;
	p2 =	slt.u32 s8, $0xFFFFF086  }
0x1c: {  	p1 =	slt.u32 s9, $0xF7A;
	s5 =	simm.s32 @!p2 $0x0  }
0x1d: {  	s5 =	simm.s32 @p1 $0x1;
	p0 =	seq.s32 s7, s2  }
0x1e: {  	s7 =	smul.u32 @!p0 $0xF7A, s2;
	p2 =	seq.s32 @!p0 s5, $0x0  }
0x1f: {  	s9 =	smul.u32 $0xF7A, s1;
	s8 =	simm.s32 @!p0 $0x1BF5;
	p2 =	por !p2, p0  }
0x20: {  	[sflag:s8] =	ssyncset.s32 @!p0 $0xFFFFF086;
	s6 =	sadd.s32 @!p0 s3, s7;
	s7 =	simm.s32 @!p0 $0x108  }
0x21: {  	s3 =	sadd.s32 s3, s9;
	s6 =	sadd.s32 @!p0 $0x88, s6;
	s7 =	simm.s32 @p2 $0x1082  }
0x22: {  	[simem:s7], [sflag:s8] =	dma.local @!p0 [hbm:s6], $0xF7A  }
0x23: {  	s9 =	sor.u32 $0xD0000000, s2;
	s6 =	simm.s32 $0x108;
	_ =	swait.ge @!p0 [sflag:s8], $0x0  }
0x24: {  	s3 =	sadd.s32 $0x88, s3;
	s6 =	simm.s32 @!p1 $0x1082;
	[sflag:s4] =	ssyncset.s32 $0xFFFFF086  }
0x25: {  	[simem:s6], [sflag:s4] =	dma.local [hbm:s3], $0xF7A  }
0x26: {  	[smem:$0x3F93] =	sst s1;
	(tag) =	ssettag s2;
	_ =	strace s9  }
0x27: {  	s1 =	sld [smem:$0x3FA3]  }
0x28: {  	s2 =	sld [smem:$0x3FA4]  }
0x29: {  	s4 =	sld [smem:$0x3FA6]  }
0x2a: {  	p0 =	seq.s32 s5, $0x0;
	s5 =	sld [smem:$0x3FA7]  }
0x2b: {  	s6 =	sld [smem:$0x3FA8]  }
0x2c: {  	s7 =	sld [smem:$0x3FA9]  }
0x2d: {  	s3 =	simm.s32 $0x108;
	s8 =	sld [smem:$0x3FAA]  }
0x2e: {  	s3 =	simm.s32 @!p0 $0x1082;
	s9 =	sld [smem:$0x3FAB]  }
0x2f: {  	lr =	sadd.s32 s0, s3;
	s0 =	sld [smem:$0x3FA2]  }
0x30: {  	s3 =	sld [smem:$0x3FA5]  }
0x31: {  	[smem:$0x3FAE] =	sst s10  }
0x32: {  	s10 =	sld [smem:$0x3FAC];
	_ =	sdelay $0x3  }
0x33: {  	p0 =	seq.s32 s10, $0x1;
	s10 =	sld [smem:$0x3FAE];
	_ =	sdelay $0x3  }
0x34: {  	[smem:$0x3FAE] =	sst s10  }
0x35: {  	s10 =	sld [smem:$0x3FAD];
	_ =	sdelay $0x3  }
0x36: {  	p1 =	seq.s32 s10, $0x1;
	s10 =	sld [smem:$0x3FAE];
	_ =	sdelay $0x3  }
0x37: {  	[smem:$0x3FAE] =	sst s10  }
0x38: {  	s10 =	sld [smem:$0x3FAF]  }
0x39: {  	_ = 	snop;
	(pc) =	sbr.ind lr, $3  }
0x3a: {  	_ = 	snop  }
0x3b: {  	_ = 	snop  }
0x3c: {  	p2 =	seq.s32 s10, $0x1;
	s10 =	sld [smem:$0x3FAE]  }
0x3d: {  	_ =	shalt  }
0x3e: {  	_ =	shalt  }
0x3f: {  	_ =	shalt  }
0x40: {  	_ =	shalt  }
0x41: {  	_ =	shalt  }
0x42: {  	_ =	shalt  }
0x43: {  	_ =	shalt  }
0x44: {  	_ =	shalt  }
0x45: {  	_ =	shalt  }
0x46: {  	_ =	shalt  }
0x47: {  	_ =	shalt  }
0x48: {  	_ =	shalt  }
0x49: {  	_ =	shalt  }
0x4a: {  	_ =	shalt  }
0x4b: {  	_ =	shalt  }
0x4c: {  	_ =	shalt  }
0x4d: {  	_ =	shalt  }
0x4e: {  	_ =	shalt  }
0x4f: {  	_ =	shalt  }
0x50: {  	_ =	shalt  }
0x51: {  	_ =	shalt  }
0x52: {  	_ =	shalt  }
0x53: {  	_ =	shalt  }
0x54: {  	_ =	shalt  }
0x55: {  	_ =	shalt  }
0x56: {  	_ =	shalt  }
0x57: {  	_ =	shalt  }
0x58: {  	_ =	shalt  }
0x59: {  	_ =	shalt  }
0x5a: {  	_ =	shalt  }
0x5b: {  	_ =	shalt  }
0x5c: {  	_ =	shalt  }
0x5d: {  	_ =	shalt  }
0x5e: {  	_ =	shalt  }
0x5f: {  	_ =	shalt  }
0x60: {  	_ =	shalt  }
0x61: {  	_ =	shalt  }
0x62: {  	_ =	shalt  }
0x63: {  	_ =	shalt  }
0x64: {  	_ =	shalt  }
0x65: {  	_ =	shalt  }
0x66: {  	_ =	shalt  }
0x67: {  	_ =	shalt  }
0x68: {  	_ =	shalt  }
0x69: {  	_ =	shalt  }
0x6a: {  	_ =	shalt  }
0x6b: {  	_ =	shalt  }
0x6c: {  	_ =	shalt  }
0x6d: {  	_ =	shalt  }
0x6e: {  	_ =	shalt  }
0x6f: {  	_ =	shalt  }
0x70: {  	_ =	shalt  }
0x71: {  	_ =	shalt  }
0x72: {  	_ =	shalt  }
0x73: {  	_ =	shalt  }
0x74: {  	_ =	shalt  }
0x75: {  	_ =	shalt  }
0x76: {  	_ =	shalt  }
0x77: {  	_ =	shalt  }
0x78: {  	_ =	shalt  }
0x79: {  	_ =	shalt  }
0x7a: {  	_ =	shalt  }
0x7b: {  	_ =	shalt  }
0x7c: {  	_ =	shalt  }
0x7d: {  	_ =	shalt  }
0x7e: {  	_ =	shalt  }
0x7f: {  	_ =	shalt  }
0x80: {  	_ =	shalt  }
0x81: {  	_ =	shalt  }
0x82: {  	_ =	shalt  }
0x83: {  	_ =	shalt  }
0x84: {  	_ =	shalt  }
0x85: {  	_ =	shalt  }
0x86: {  	_ =	shalt  }
0x87: {  	_ =	shalt  }
.Lfunc_end0:
.L_simem_size_0:
called_computation_lowered:
.L_overlay_start_0:
0x88: {  	s2 =	sld [smem:$0x3FD9]  }
0x89: {  	s3 =	sld [smem:$0x3FFE];
	_ =	sdelay $0x1  }
0x8a: {  	s1 =	srdreg.scid  }
0x8b: {  	s0 =	sand.u32 $0x1, s1  }
0x8c: {  	s16 =	sshll.u32 s0, $0xA;
	s2 =	sadd.s32 s3, s2  }
0x8d: {  	s2 =	sadd.s32 s2, s16  }
0x8e: {  	[smem:$0x3FBA] =	sst s2  }
0x8f: {  	_ = 	snop  }
0x90: {  	(tm) =	ssettm $0x1  }
0x91: {  	s17 =	sld [smem:$0x3FFB];
	_ =	sdelay $0x3  }
0x92: {  	_ =	strace s17  }
0x93: {  	s2 =	sld [smem:$0x3FFC];
	_ =	sdelay $0x3  }
0x94: {  	_ =	strace s2  }
0x95: {  	s2 =	sld [smem:$0x3FFD];
	_ =	sdelay $0x3  }
0x96: {  	_ =	strace s2  }
0x97: {  	_ =	strace $0x8FFFFFFF  }
0x98: {  	s18 =	sld [smem:$0x3FDB];
	_ =	sdelay $0x1  }
0x99: {  	s19 =	simm.s32 $_scs_section_size  }
0x9a: {  	s4 =	simm.s32 $_size__tile_overlayer_lowered;
	s5 =	simm.s32 $_tile_overlayer_lowered  }
0x9b: {  	s22 =	simm.s32 $0x1BFF;
	s21 =	sshll.u32 s5, $0x1;
	s2 =	sadd.s32 s19, s18  }
0x9c: {  	s6 =	simm.s32 $0x0;
	s20 =	sshll.u32 s4, $0x1;
	s4 =	sadd.s32 s21, s2  }
0x9d: {  	[timem:s6], [sflag:s22] =	dma.local [hbm:s4], s20  }
0x9e: {  	_ =	swait.ge [sflag:s22], s20  }
0x9f: {  	s3 =	ssub.s32 $0x0, s20;
	[sflag:s22] =	ssyncset.done $0x0  }
0xa0: {  	[sflag:s22] =	ssyncadd.s32 s3;
	_ =	sdelay $0x1  }
0xa1: {  	s23 =	simm.s32 $0x1B8B  }
0xa2: {  	_ =	swait.ge [sflag:s23], $0x1  }
0xa3: {  	[sflag:s23] =	ssyncset.done $0x0  }
0xa4: {  	s25 =	simm.s32 $0x1B8E;
	s24 =	sld [smem:$0x3FFE];
	[sflag:s23] =	ssyncadd.s32 $0xFFFFFFFF  }
0xa5: {  	s26 =	simm.s32 $execute0_lowered;
	[smem:$0x3FD2] =	sst s25  }
0xa6: {  	s4 =	sshll.u32 s26, $0x1;
	_ =	strace $0x80000046;
	[dreg:$0x1] =	wrdreg $0xFFFFFFFF  }
0xa7: {  	s28 =	simm.s32 $_size_execute0_lowered;
	s2 =	sadd.s32 s2, s4;
	[dreg:$0x0] =	wrdreg $0x0  }
0xa8: {  	s4 =	sshll.u32 s28, $0x1;
	[dreg:$0x2] =	wrdreg s2  }
0xa9: {  	[dreg:$0x3] =	wrdreg s4  }
0xaa: {  	[dreg:$0x4] =	wrdreg $0xC0  }
0xab: {  	_ =	task [dreg:s6], $0x5FFFF  }
0xac: {  	[dreg:$0x1] =	wrdreg $0xFFFFFFFF  }
0xad: {  	[dreg:$0x0] =	wrdreg $0x60  }
0xae: {  	[dreg:$0x2] =	wrdreg s24  }
0xaf: {  	[dreg:$0x3] =	wrdreg $0x180000  }
0xb0: {  	[dreg:$0x4] =	wrdreg $0x130000  }
0xb1: {  	[dreg:$0x5] =	wrdreg $0x9  }
0xb2: {  	_ =	task.clear_ibuf [dreg:s6], $0x6FFFF;
	_ =	strace $0x90000046  }
0xb3: {  	s29 =	simm.s32 $0x9;
	_ =	strace $0x80000048  }
0xb4: {  	_ =	swait.ge [sflag:s29], $0x1  }
0xb5: {  	[sflag:s29] =	ssyncadd.s32 $0xFFFFFFFF  }
0xb6: {  	_ =	strace $0x90000048  }
0xb7: {  	_ =	sfence  }
0xb8: {  	s30 =	sld [smem:$0x0];
	_ =	sdelay $0x2  }
0xb9: {  	s31 =	sshll.u32 s1, $0xD;
	s1 =	sshrl.u32 s1, $0x2  }
0xba: {  	s3 =	sand.u32 $0x4000, s31;
	s1 =	sadd.s32 s1, s30  }
0xbb: {  	s0 =	sor.u32 s3, s0;
	s1 =	sshll.u32 s1, $0x11  }
0xbc: {  	s0 =	sor.u32 s1, s0  }
0xbd: {  	s0 =	sadd.s32 $0x8F2B, s0  }
0xbe: {  	[sflag:s0] =	ssyncadd.remote.s32 $0x1  }
0xbf: {  	_ =	sfence.sel $0xFFFF  }
0xc0: {  	[dreg:$0x0] =	wrdreg $0xFFFFFFFF;
	(pc) =	sbr.abs _section_cstart, $3  }
0xc1: {  	[dreg:$0x1] =	wrdreg $0xFFFFFFFF  }
0xc2: {  	_ =	task.clear_ibuf [dreg:s6], $0x2FFFF;
	_ =	strace $0x9FFFFFFF  }
0xc3: {  	(tm) =	ssettm $0x7FFFFFFF  }
tec
execute0_lowered:
.L_overlay_start_1:
0x0: {  	(tag) =	ssettag $0x1  }
0x1: {  	s0 =	rddreg [dreg:$0x0]  }
0x2: {  	s2 =	rddreg [dreg:$0x1];
	s1 =	srdreg.scid  }
0x3: {  	s4 =	stileid.u32;
	s3 =	rddreg [dreg:$0x2]  }
0x4: {  	s7 =	simm.s32 $0x0;
	s28 =	simm.s32 $0xE000;
	s6 =	smul.u32 $0x5000, s4  }
0x5: {  	s29 =	simm.s32 $0x2;
	s30 =	simm.s32 $0x8;
	s8 =	smul.u32 $0xA000, s4  }
0x6: {  	s31 =	simm.s32 $0x10000;
	s1 =	sand.u32 $0x1, s1;
	s9 =	smul.u32 $0x2800, s4  }
0x7: {  	[smem:$0x7FF] =	sst s7;
	s14 =	sadd.s32 $0x6BA00, s0;
	s5 =	smul.u32 $0x50000, s1  }
0x8: {  	s26 =	sshll.u32 s4, $0x6;
	_ =	strace $0x80000047;
	s10 =	smul.u32 $0xA0000, s1  }
0x9: {  	s13 =	smul.u32 $0x28000, s1;
	[dreg:$0x4] =	wrdreg s14;
	s17 =	ssub.s32 $0x2, s1  }
0xa: {  	p0 =	sne.s32 s1, $0x0;
	s14 =	simm.s32 $0xA;
	s20 =	sor.u32 $0x1C0A, s26  }
0xb: {  	p1 =	seq.s32 s1, $0x0;
	s26 =	simm.s32 $0x7;
	s1 =	simm.s32 $0x3  }
0xc: {  	s11 =	sshrl.u32 s8, $0x4;
	s12 =	sshrl.u32 s9, $0x3;
	s18 =	sshrl.u32 s17, $0x1  }
0xd: {  	s19 =	sadd.s32 s9, s2;
	s22 =	sshrl.u32 s8, $0x1;
	s16 =	sadd.s32 s6, s5  }
0xe: {  	s5 =	sadd.s32 $0x3EA00, s0;
	s6 =	sshrl.u32 s6, $0x3;
	s11 =	sadd.s32 s11, s0  }
0xf: {  	s12 =	sadd.s32 s12, s0;
	s10 =	sadd.s32 s8, s10;
	s13 =	sadd.s32 s9, s13  }
0x10: {  	s7 =	sshrl.u32 s16, $0x3;
	s6 =	sadd.s32 s6, s0;
	s10 =	sshrl.u32 s10, $0x4  }
0x11: {  	s13 =	sshrl.u32 s13, $0x3;
	s21 =	sadd.s32 $0x66A00, s12;
	s23 =	sadd.s32 $0x52A00, s11  }
0x12: {  	s16 =	simm.s32 $0x100;
	s7 =	sadd.s32 s7, s0;
	s10 =	sadd.s32 s10, s0  }
0x13: {  	s0 =	sadd.s32 s13, s0;
	s13 =	ssub.s32 s17, s18;
	[dreg:$0x7] =	wrdreg s21  }
0x14: {  	s6 =	sadd.s32 $0x5CA00, s6;
	[dreg:$0x8] =	wrdreg s23;
	s17 =	simm.s32 $0xA000  }
0x15: {  	s18 =	simm.s32 $0xC000;
	s7 =	sadd.s32 $0x2A00, s7;
	[dreg:$0x6] =	wrdreg s6  }
.Ltmp0:
0x16: {  	s24 =	sadd.s32 $0x75C00, s10;
	[dreg:$0x5] =	wrdreg s7;
	(pc) =	sbr.rel .LBB2_1-.Ltmp0, $4  }
0x17: {  	s21 =	sshrl.u32 s19, $0x3;
	s0 =	sadd.s32 $0x6BC00, s0;
	[dreg:$0x9] =	wrdreg s24  }
0x18: {  	s23 =	simm.s32 $0x1;
	s25 =	smax.u32 s13, $0x1;
	[dreg:$0xa] =	wrdreg s0  }
0x19: {  	s6 =	simm.s32 $0x0;
	s7 =	sadd.s32 s22, s3;
	[dreg:$0xb] =	wrdreg s25  }
0x1a: {  	s24 =	simm.s32 $0x6;
	s0 =	simm.s32 $0x4;
	s22 =	sshrl.u32 s7, $0x3  }
.LBB2_4:
0x1b: {  	s4 =	simm.s32 $0x5  }
0x1c: {  	_ =	swait.ge [sflag:s4], $0x2000  }
0x1d: {  	[sflag:s4] =	ssyncset.done $0x0  }
0x1e: {  	[sflag:s4] =	ssyncadd.s32 $0xFFFFE000  }
0x1f: {  	_ =	swait.ge [sflag:s24], $0x2000  }
0x20: {  	[sflag:s24] =	ssyncset.done $0x0  }
0x21: {  	[sflag:s24] =	ssyncadd.s32 $0xFFFFE000  }
0x22: {  	_ =	swait.ge [sflag:s26], $0x2000  }
0x23: {  	[sflag:s26] =	ssyncset.done $0x0  }
0x24: {  	[sflag:s26] =	ssyncadd.s32 $0xFFFFE000  }
0x25: {  	_ =	swait.ge [sflag:s30], $0x2000  }
0x26: {  	[sflag:s30] =	ssyncset.done $0x0  }
0x27: {  	s13 =	simm.s32 $0x9;
	[sflag:s30] =	ssyncadd.s32 $0xFFFFE000  }
0x28: {  	_ =	swait.ge [sflag:s13], $0x1000  }
0x29: {  	[sflag:s13] =	ssyncset.done $0x0  }
0x2a: {  	[sflag:s13] =	ssyncadd.s32 $0xFFFFF000  }
0x2b: {  	[bflag:$0x0] =	sbarrier.arrive $0xFFFF  }
0x2c: {  	s15 =	rddreg [dreg:$0x9]  }
0x2d: {  	[hbm:s15], [sflag:s20] =	dma.local [spmem:s22], $0xA00  }
0x2e: {  	_ =	swait.ge [sflag:s14], $0xA00  }
0x2f: {  	[sflag:s14] =	ssyncset.done $0x0  }
0x30: {  	s19 =	rddreg [dreg:$0xa];
	[sflag:s14] =	ssyncadd.s32 $0xFFFFF600  }
0x31: {  	[hbm:s19], [sflag:s20] =	dma.local [spmem:s21], $0x500  }
0x32: {  	_ =	swait.ge [sflag:s14], $0x500  }
0x33: {  	s6 =	sadd.s32 $0x1, s6;
	s25 =	rddreg [dreg:$0xb]  }
0x34: {  	p2 =	sne.s32 s6, s25  }
.Ltmp1:
0x35: {  	_ = 	snop;
	(pc) =	sbr.rel @!p2 .LBB2_5-.Ltmp1, $3  }
0x36: {  	_ =	sdelay $0x1  }
0x37: {  	[sflag:s14] =	ssyncset.done $0x0  }
0x38: {  	[sflag:s14] =	ssyncadd.s32 $0xFFFFFB00  }
.LBB2_1:
0x39: {  	s4 =	simm.s32 $0x0;
	s7 =	rddreg [dreg:$0x5]  }
0x3a: {  	[tilespmem:s4], [sflag:$0xA] =	stream.linear.gather [hbm4b:s7+s4], $0x5000, $0x38;
	[tilespmem:$0x1A800] =	vst v63  }
0x3b: {  	_ =	swait.ge [sflag:s14], $0x5000  }
0x3c: {  	[sflag:s14] =	ssyncset.done $0x0  }
0x3d: {  	s8 =	simm.s32 $0x5000;
	s12 =	rddreg [dreg:$0x6];
	[sflag:s14] =	ssyncadd.s32 $0xFFFFB000  }
0x3e: {  	[tilespmem:s8], [sflag:$0xA] =	stream.linear.gather [hbm4b:s12+s4], $0x5000, $0x38;
	[tilespmem:$0x1A800] =	vst v63  }
0x3f: {  	_ =	swait.ge [sflag:s14], $0x5000  }
0x40: {  	[sflag:s14] =	ssyncset.done $0x0  }
0x41: {  	[sflag:s14] =	ssyncadd.s32 $0xFFFFB000  }
0x42: {  	[tilespmem:s17], [sflag:$0x1] =	stream.indirect.gather [hbm4b:s5+s16], $0x20, s4, s16, $0xb8;
	[tilespmem:$0x1A800] =	vst v63  }
0x43: {  	_ = 	snop  }
0x44: {  	[tilespmem:s18], [sflag:$0x2] =	stream.indirect.gather [hbm4b:s5+s16], $0x20, s16, s16, $0xb8;
	[tilespmem:$0x1A800] =	vst v63  }
0x45: {  	s9 =	simm.s32 $0x12000;
	s13 =	rddreg [dreg:$0x4]  }
0x46: {  	[tilespmem:s9], [sflag:$0xA] =	stream.linear.gather [hbm4b:s13+s4], $0x1000, $0x38;
	[tilespmem:$0x1A800] =	vst v63  }
0x47: {  	_ =	swait.ge [sflag:s14], $0x1000  }
0x48: {  	[sflag:s14] =	ssyncset.done $0x0  }
0x49: {  	s15 =	rddreg [dreg:$0x7];
	[sflag:s14] =	ssyncadd.s32 $0xFFFFF000  }
0x4a: {  	[spmem:s21], [sflag:s20] =	dma.local [hbm:s15], $0x500  }
0x4b: {  	_ =	swait.ge [sflag:s14], $0x500  }
0x4c: {  	[sflag:s14] =	ssyncset.done $0x0  }
0x4d: {  	s19 =	rddreg [dreg:$0x8];
	[sflag:s14] =	ssyncadd.s32 $0xFFFFFB00  }
0x4e: {  	[spmem:s22], [sflag:s20] =	dma.local [hbm:s19], $0xA00  }
0x4f: {  	_ =	swait.ge [sflag:s14], $0xA00  }
0x50: {  	[sflag:s14] =	ssyncset.done $0x0  }
0x51: {  	[sflag:s14] =	ssyncadd.s32 $0xFFFFF600  }
0x52: {  	[bflag:$0x0] =	sbarrier.arrive $0xFFFF  }
0x53: {  	_ =	swait.ge [sflag:s23], $0x2000  }
0x54: {  	[sflag:s23] =	ssyncset.done $0x0  }
0x55: {  	[sflag:s23] =	ssyncadd.s32 $0xFFFFE000  }
0x56: {  	[spmem:s3] =	stream.indirect.scatter.add.bf16 [tilespmem:s17], [sflag:$0x5], $0x20, s8, s16, $0xb8;
	[tilespmem:$0x1A800] =	vst v63  }
0x57: {  	s7 =	simm.s32 @p0 $0x100;
	s9 =	simm.s32 @p0 $0xE000;
	s8 =	simm.s32 @p0 $0x200  }
0x58: {  	[tilespmem:s9], [sflag:$0x3] =	stream.indirect.gather @p0 [hbm4b:s5+s7], $0x20, s8, s7, $0xb8;
	[tilespmem:$0x1A800] =	vst v63  }
0x59: {  	s8 =	simm.s32 @p0 $0x2  }
0x5a: {  	_ =	swait.ge @p0 [sflag:s8], $0x2000  }
0x5b: {  	[sflag:s8] =	ssyncset.done @p0 $0x0  }
0x5c: {  	s10 =	simm.s32 @p0 $0xC000;
	[sflag:s8] =	ssyncadd.s32 @p0 $0xFFFFE000;
	s8 =	simm.s32 @p0 $0x5100  }
0x5d: {  	[spmem:s3] =	stream.indirect.scatter.add.bf16 @p0 [tilespmem:s10], [sflag:$0x6], $0x20, s8, s7, $0xb8;
	[tilespmem:$0x1A800] =	vst v63  }
0x5e: {  	s10 =	simm.s32 @p0 $0x12000  }
0x5f: {  	[spmem:s2] =	stream.indirect.scatter.add.f32 @p0 [tilespmem:s10], [sflag:$0x9], $0x10, s8, s7, $0xb8;
	[tilespmem:$0x1A800] =	vst v63  }
0x60: {  	s11 =	simm.s32 @p0 $0x10000;
	s8 =	simm.s32 @p0 $0x300  }
0x61: {  	[tilespmem:s11], [sflag:$0x4] =	stream.indirect.gather @p0 [hbm4b:s5+s7], $0x20, s8, s7, $0xb8;
	[tilespmem:$0x1A800] =	vst v63  }
0x62: {  	s8 =	simm.s32 @p0 $0x3  }
0x63: {  	_ =	swait.ge @p0 [sflag:s8], $0x2000  }
0x64: {  	[sflag:s8] =	ssyncset.done @p0 $0x0  }
0x65: {  	[sflag:s8] =	ssyncadd.s32 @p0 $0xFFFFE000;
	s8 =	simm.s32 @p0 $0x5200  }
0x66: {  	[spmem:s3] =	stream.indirect.scatter.add.bf16 @p0 [tilespmem:s9], [sflag:$0x7], $0x20, s8, s7, $0xb8;
	[tilespmem:$0x1A800] =	vst v63  }
0x67: {  	s8 =	simm.s32 @p0 $0x5  }
0x68: {  	_ =	swait.ge @p0 [sflag:s8], $0x2000  }
0x69: {  	[sflag:s8] =	ssyncset.done @p0 $0x0  }
0x6a: {  	s9 =	simm.s32 @p0 $0xA000;
	[sflag:s8] =	ssyncadd.s32 @p0 $0xFFFFE000;
	s8 =	simm.s32 @p0 $0x400  }
0x6b: {  	[tilespmem:s9], [sflag:$0x1] =	stream.indirect.gather @p0 [hbm4b:s5+s7], $0x20, s8, s7, $0xb8;
	[tilespmem:$0x1A800] =	vst v63  }
0x6c: {  	s8 =	simm.s32 @p0 $0x4  }
0x6d: {  	_ =	swait.ge @p0 [sflag:s8], $0x2000  }
0x6e: {  	[sflag:s8] =	ssyncset.done @p0 $0x0  }
0x6f: {  	s9 =	simm.s32 @p0 $0x9;
	[sflag:s8] =	ssyncadd.s32 @p0 $0xFFFFE000;
	s8 =	simm.s32 @p0 $0x5300  }
0x70: {  	[spmem:s3] =	stream.indirect.scatter.add.bf16 @p0 [tilespmem:s11], [sflag:$0x8], $0x20, s8, s7, $0xb8;
	[tilespmem:$0x1A800] =	vst v63  }
0x71: {  	_ =	swait.ge @p0 [sflag:s9], $0x1000  }
0x72: {  	[sflag:s9] =	ssyncset.done @p0 $0x0  }
0x73: {  	[sflag:s9] =	ssyncadd.s32 @p0 $0xFFFFF000  }
0x74: {  	[spmem:s2] =	stream.indirect.scatter.add.f32 @p0 [tilespmem:s10], [sflag:$0x9], $0x10, s8, s7, $0xb8;
	[tilespmem:$0x1A800] =	vst v63  }
0x75: {  	s9 =	simm.s32 @!p0 $0x5000;
	s7 =	simm.s32 @!p0 $0x100;
	s8 =	simm.s32 @!p0 $0x12000  }
0x76: {  	[spmem:s2] =	stream.indirect.scatter.add.f32 @!p0 [tilespmem:s8], [sflag:$0x9], $0x10, s9, s7, $0xb8;
	[tilespmem:$0x1A800] =	vst v63  }
0x77: {  	s10 =	simm.s32 @!p0 $0xE000;
	s9 =	simm.s32 @!p0 $0x200  }
0x78: {  	[tilespmem:s10], [sflag:$0x3] =	stream.indirect.gather @!p0 [hbm4b:s5+s7], $0x20, s9, s7, $0xb8;
	[tilespmem:$0x1A800] =	vst v63  }
0x79: {  	s9 =	simm.s32 @!p0 $0x2  }
0x7a: {  	_ =	swait.ge @!p0 [sflag:s9], $0x2000  }
0x7b: {  	[sflag:s9] =	ssyncset.done @!p0 $0x0  }
0x7c: {  	s11 =	simm.s32 @!p0 $0xC000;
	[sflag:s9] =	ssyncadd.s32 @!p0 $0xFFFFE000;
	s9 =	simm.s32 @!p0 $0x5100  }
0x7d: {  	[spmem:s3] =	stream.indirect.scatter.add.bf16 @!p0 [tilespmem:s11], [sflag:$0x6], $0x20, s9, s7, $0xb8;
	[tilespmem:$0x1A800] =	vst v63  }
0x7e: {  	s9 =	simm.s32 @!p0 $0x300;
	s11 =	simm.s32 @!p0 $0x10000  }
0x7f: {  	[tilespmem:s11], [sflag:$0x4] =	stream.indirect.gather @!p0 [hbm4b:s5+s7], $0x20, s9, s7, $0xb8;
	[tilespmem:$0x1A800] =	vst v63  }
0x80: {  	s9 =	simm.s32 @!p0 $0x3  }
0x81: {  	_ =	swait.ge @!p0 [sflag:s9], $0x2000  }
0x82: {  	[sflag:s9] =	ssyncset.done @!p0 $0x0  }
0x83: {  	s15 =	simm.s32 @!p0 $0x5200;
	[sflag:s9] =	ssyncadd.s32 @!p0 $0xFFFFE000;
	s9 =	simm.s32 @!p0 $0x9  }
0x84: {  	[spmem:s3] =	stream.indirect.scatter.add.bf16 @!p0 [tilespmem:s10], [sflag:$0x7], $0x20, s15, s7, $0xb8;
	[tilespmem:$0x1A800] =	vst v63  }
0x85: {  	_ =	swait.ge @!p0 [sflag:s9], $0x1000  }
0x86: {  	[sflag:s9] =	ssyncset.done @!p0 $0x0  }
0x87: {  	s10 =	simm.s32 @!p0 $0x5;
	[sflag:s9] =	ssyncadd.s32 @!p0 $0xFFFFF000  }
0x88: {  	[spmem:s2] =	stream.indirect.scatter.add.f32 @!p0 [tilespmem:s8], [sflag:$0x9], $0x10, s15, s7, $0xb8;
	[tilespmem:$0x1A800] =	vst v63  }
0x89: {  	_ =	swait.ge @!p0 [sflag:s10], $0x2000  }
0x8a: {  	[sflag:s10] =	ssyncset.done @!p0 $0x0  }
0x8b: {  	s15 =	simm.s32 @!p0 $0xA000;
	[sflag:s10] =	ssyncadd.s32 @!p0 $0xFFFFE000;
	s10 =	simm.s32 @!p0 $0x400  }
0x8c: {  	[tilespmem:s15], [sflag:$0x1] =	stream.indirect.gather @!p0 [hbm4b:s5+s7], $0x20, s10, s7, $0xb8;
	[tilespmem:$0x1A800] =	vst v63  }
0x8d: {  	s10 =	simm.s32 @!p0 $0x4  }
0x8e: {  	_ =	swait.ge @!p0 [sflag:s10], $0x2000  }
0x8f: {  	[sflag:s10] =	ssyncset.done @!p0 $0x0  }
0x90: {  	[sflag:s10] =	ssyncadd.s32 @!p0 $0xFFFFE000;
	s10 =	simm.s32 @!p0 $0x5300  }
0x91: {  	[spmem:s3] =	stream.indirect.scatter.add.bf16 @!p0 [tilespmem:s11], [sflag:$0x8], $0x20, s10, s7, $0xb8;
	[tilespmem:$0x1A800] =	vst v63  }
0x92: {  	_ =	swait.ge [sflag:s24], $0x2000  }
0x93: {  	[sflag:s24] =	ssyncset.done $0x0  }
0x94: {  	s25 =	simm.s32 $0x500;
	s10 =	simm.s32 $0x0;
	[sflag:s24] =	ssyncadd.s32 $0xFFFFE000  }
0x95: {  	[tilespmem:s18], [sflag:$0x2] =	stream.indirect.gather [hbm4b:s5+s16], $0x20, s25, s16, $0xb8;
	[tilespmem:$0x1A800] =	vst v63  }
.LBB2_2:
0x96: {  	_ =	swait.ge [sflag:s23], $0x2000  }
0x97: {  	s11 =	sshra.s32 s10, $0x2;
	[sflag:s23] =	ssyncset.done $0x0  }
0x98: {  	s15 =	sadd.s32 $0x5400, s11;
	[sflag:s23] =	ssyncadd.s32 $0xFFFFE000  }
0x99: {  	[spmem:s3] =	stream.indirect.scatter.add.bf16 [tilespmem:s17], [sflag:$0x5], $0x20, s15, s16, $0xb8;
	[tilespmem:$0x1A800] =	vst v63  }
0x9a: {  	_ =	swait.ge @!p0 [sflag:s9], $0x1000  }
0x9b: {  	[sflag:s9] =	ssyncset.done @!p0 $0x0  }
0x9c: {  	[sflag:s9] =	ssyncadd.s32 @!p0 $0xFFFFF000  }
0x9d: {  	[spmem:s2] =	stream.indirect.scatter.add.f32 @!p0 [tilespmem:s8], [sflag:$0x9], $0x10, s15, s7, $0xb8;
	[tilespmem:$0x1A800] =	vst v63  }
0x9e: {  	_ =	swait.ge [sflag:s26], $0x2000  }
0x9f: {  	[sflag:s26] =	ssyncset.done $0x0  }
0xa0: {  	s19 =	sadd.s32 $0x600, s11;
	[sflag:s26] =	ssyncadd.s32 $0xFFFFE000  }
0xa1: {  	[tilespmem:s28], [sflag:$0x3] =	stream.indirect.gather [hbm4b:s5+s16], $0x20, s19, s16, $0xb8;
	[tilespmem:$0x1A800] =	vst v63  }
0xa2: {  	_ =	swait.ge [sflag:s29], $0x2000  }
0xa3: {  	[sflag:s29] =	ssyncset.done $0x0  }
0xa4: {  	s12 =	simm.s32 @!p1 $0x9;
	s15 =	sadd.s32 $0x5500, s11;
	[sflag:s29] =	ssyncadd.s32 $0xFFFFE000  }
0xa5: {  	[spmem:s3] =	stream.indirect.scatter.add.bf16 [tilespmem:s18], [sflag:$0x6], $0x20, s15, s16, $0xb8;
	[tilespmem:$0x1A800] =	vst v63  }
0xa6: {  	_ =	swait.ge @!p1 [sflag:s12], $0x1000  }
0xa7: {  	[sflag:s12] =	ssyncset.done @!p1 $0x0  }
0xa8: {  	s13 =	simm.s32 @!p1 $0x100;
	s19 =	simm.s32 @!p1 $0x12000;
	[sflag:s12] =	ssyncadd.s32 @!p1 $0xFFFFF000  }
0xa9: {  	[spmem:s2] =	stream.indirect.scatter.add.f32 @!p1 [tilespmem:s19], [sflag:$0x9], $0x10, s15, s13, $0xb8;
	[tilespmem:$0x1A800] =	vst v63  }
0xaa: {  	_ =	swait.ge [sflag:s30], $0x2000  }
0xab: {  	[sflag:s30] =	ssyncset.done $0x0  }
0xac: {  	s25 =	sadd.s32 $0x700, s11;
	[sflag:s30] =	ssyncadd.s32 $0xFFFFE000  }
0xad: {  	[tilespmem:s31], [sflag:$0x4] =	stream.indirect.gather [hbm4b:s5+s16], $0x20, s25, s16, $0xb8;
	[tilespmem:$0x1A800] =	vst v63  }
0xae: {  	_ =	swait.ge [sflag:s1], $0x2000  }
0xaf: {  	[sflag:s1] =	ssyncset.done $0x0  }
0xb0: {  	s15 =	sadd.s32 $0x5600, s11;
	[sflag:s1] =	ssyncadd.s32 $0xFFFFE000  }
0xb1: {  	[spmem:s3] =	stream.indirect.scatter.add.bf16 [tilespmem:s28], [sflag:$0x7], $0x20, s15, s16, $0xb8;
	[tilespmem:$0x1A800] =	vst v63  }
0xb2: {  	_ =	swait.ge @!p0 [sflag:s9], $0x1000  }
0xb3: {  	[sflag:s9] =	ssyncset.done @!p0 $0x0  }
0xb4: {  	p2 =	seq.s32 s10, $0x12000;
	[sflag:s9] =	ssyncadd.s32 @!p0 $0xFFFFF000  }
0xb5: {  	[spmem:s2] =	stream.indirect.scatter.add.f32 @!p0 [tilespmem:s8], [sflag:$0x9], $0x10, s15, s7, $0xb8;
	[tilespmem:$0x1A800] =	vst v63  }
0xb6: {  	s15 =	simm.s32 @!p2 $0x5  }
0xb7: {  	_ =	swait.ge @!p2 [sflag:s15], $0x2000  }
0xb8: {  	[sflag:s15] =	ssyncset.done @!p2 $0x0  }
0xb9: {  	[sflag:s15] =	ssyncadd.s32 @!p2 $0xFFFFE000;
	s15 =	sshra.s32 @!p2 s10, $0x2  }
0xba: {  	s4 =	simm.s32 @!p2 $0xA000;
	s25 =	simm.s32 @!p2 $0x100;
	s15 =	sadd.s32 @!p2 $0x800, s15  }
0xbb: {  	[tilespmem:s4], [sflag:$0x1] =	stream.indirect.gather @!p2 [hbm4b:s5+s25], $0x20, s15, s25, $0xb8;
	[tilespmem:$0x1A800] =	vst v63  }
0xbc: {  	_ =	swait.ge [sflag:s0], $0x2000  }
0xbd: {  	[sflag:s0] =	ssyncset.done $0x0  }
0xbe: {  	s4 =	sadd.s32 $0x5700, s11;
	[sflag:s0] =	ssyncadd.s32 $0xFFFFE000  }
0xbf: {  	[spmem:s3] =	stream.indirect.scatter.add.bf16 [tilespmem:s31], [sflag:$0x8], $0x20, s4, s16, $0xb8;
	[tilespmem:$0x1A800] =	vst v63  }
.Ltmp2:
0xc0: {  	_ = 	snop;
	(pc) =	sbr.rel @p2 .LBB2_4-.Ltmp2, $4  }
0xc1: {  	_ =	swait.ge @!p1 [sflag:s12], $0x1000  }
0xc2: {  	[sflag:s12] =	ssyncset.done @!p1 $0x0  }
0xc3: {  	[sflag:s12] =	ssyncadd.s32 @!p1 $0xFFFFF000  }
0xc4: {  	[spmem:s2] =	stream.indirect.scatter.add.f32 @!p1 [tilespmem:s19], [sflag:$0x9], $0x10, s4, s13, $0xb8;
	[tilespmem:$0x1A800] =	vst v63  }
.Ltmp3:
0xc5: {  	(pc) =	sbr.rel .LBB2_2-.Ltmp3, $4  }
0xc6: {  	_ =	swait.ge [sflag:s24], $0x2000  }
0xc7: {  	[sflag:s24] =	ssyncset.done $0x0  }
0xc8: {  	s4 =	sadd.s32 $0x900, s11;
	s10 =	sadd.s32 $0x1000, s10;
	[sflag:s24] =	ssyncadd.s32 $0xFFFFE000  }
0xc9: {  	[tilespmem:s18], [sflag:$0x2] =	stream.indirect.gather [hbm4b:s5+s16], $0x20, s4, s16, $0xb8;
	[tilespmem:$0x1A800] =	vst v63  }
.LBB2_5:
0xca: {  	_ =	sfence.sel $0x180000  }
0xcb: {  	[bflag:$0x0] =	sbarrier.arrive $0xFFFF  }
0xcc: {  	_ =	strace $0x90000047  }
0xcd: {  	s0 =	stileid.u32;
	[bflag:$0x2] =	sbarrier.arrive $0xFFFF  }
0xce: {  	p0 =	sne.s32 s0, $0x0;
	s0 =	rddreg [dreg:$0x3]  }
0xcf: {  	s0 =	sadd.s32 @!p0 $0x100000, s0  }
0xd0: {  	[sflag:s0] =	ssyncadd.tile.s32 @!p0 $0x1;
	_ =	shalt  }
.Lfunc_end2:
_tile_overlayer_lowered:
.L_overlay_start_2:
0xd1: {  	(tag) =	ssettag $0x2  }
0xd2: {  	s0 =	rddreg [dreg:$0x0];
	s2 =	stileid.u32  }
0xd3: {  	s1 =	rddreg [dreg:$0x1];
	p0 =	sne.s32 s2, $0x0  }
0xd4: {  	s3 =	rddreg [dreg:$0x2];
	[bflag:$0x3] =	sbarrier.arrive $0xFFFF;
	s2 =	simm.s32 @!p0 $0x1C0A  }
0xd5: {  	[timem:s3], [sflag:s2] =	dma.local @!p0 [hbm:s0], s1  }
0xd6: {  	s0 =	simm.s32 @!p0 $0xA  }
0xd7: {  	_ =	swait.ge @!p0 [sflag:s0], s1  }
0xd8: {  	s1 =	ssub.s32 @!p0 $0x0, s1;
	[sflag:s0] =	ssyncset.done @!p0 $0x0  }
0xd9: {  	[sflag:s0] =	ssyncadd.s32 @!p0 s1  }
0xda: {  	[bflag:$0x3] =	sbarrier.arrive $0xFFFF  }
0xdb: {  	_ =	shalt  }

</sc_bundles>
